<compile_context>
chip_gen: v7x
topology: tpu7x:2x2x1
jax: 0.10.2.dev20260603
libtpu: 0.0.44.dev20260713+nightly
codegen_flags: <defaults>
</compile_context>

<pallas_src>
import functools

import jax
import jax.numpy as jnp
from jax import lax
from jax.experimental import pallas as pl
from jax.experimental.pallas import tpu as pltpu
from jax.experimental.pallas import tpu_sc as plsc

N = 320000
D = 128
B = 1024

NC = 2
NS = 16
NW = NC * NS

C = 128
NCH = N // C
NBUF = 6
CHUNKS_PER_WORKER = -(-(NCH) // NW)
LOOP_STEPS = -(-CHUNKS_PER_WORKER // NBUF) * NBUF
IDROWS_PER_CHUNK = C // 128
SEG_PER_TILE = B // NS


def _sc_segment_sum(node_embedding, ids2):
    mesh = plsc.VectorSubcoreMesh(core_axis_name="c", subcore_axis_name="s")

    @functools.partial(
        pl.kernel,
        out_type=(
            jax.ShapeDtypeStruct((NC, B, D), jnp.float32),
            jax.ShapeDtypeStruct((NW, B), jnp.float32),
        ),
        mesh=mesh,
        compiler_params=pltpu.CompilerParams(needs_layout_passes=False),
        scratch_types=[
            pltpu.VMEM((NBUF, C, D), jnp.float32),
            pltpu.VMEM((NBUF, IDROWS_PER_CHUNK, 128), jnp.int32),
            pltpu.VMEM((SEG_PER_TILE, D), jnp.float32),
            pltpu.VMEM((B,), jnp.float32),
            pltpu.VMEM_SHARED((B, D), jnp.float32),
        ] + [pltpu.SemaphoreType.DMA] * (3 * NBUF),
    )
    def seg_kernel(emb_hbm, ids_hbm, out_sum, out_cnt,
                   rows_v, idx_v, zrow_v, cnt_v, acc_sh, *sems):
        cid = lax.axis_index("c")
        sid = lax.axis_index("s")
        wid = sid * NC + cid
        sem_r = sems[0:NBUF]
        sem_i = sems[NBUF:2 * NBUF]
        sem_s = sems[2 * NBUF:3 * NBUF]

        def fill_zrow(k, _):
            i = k // (D // 16)
            j = k % (D // 16)
            zrow_v[i, pl.ds(j * 16, 16)] = jnp.zeros((16,), jnp.float32)
            return 0
        lax.fori_loop(0, SEG_PER_TILE * (D // 16), fill_zrow, 0)

        def fill_zcnt(i, _):
            cnt_v[pl.ds(i * 16, 16)] = jnp.zeros((16,), jnp.float32)
            return 0
        lax.fori_loop(0, B // 16, fill_zcnt, 0)

        pltpu.sync_copy(zrow_v, acc_sh.at[pl.ds(sid * SEG_PER_TILE, SEG_PER_TILE)])
        plsc.subcore_barrier()

        def issue(t, b):
            r = t * NW + wid

            @pl.when(r < NCH)
            def _():
                pltpu.async_copy(
                    ids_hbm.at[pl.ds(r * IDROWS_PER_CHUNK, IDROWS_PER_CHUNK)],
                    idx_v.at[b], sem_i[b])
                pltpu.async_copy(emb_hbm.at[pl.ds(r * C, C)],
                                 rows_v.at[b], sem_r[b])

        def wait_and_process(t, b):
            r = t * NW + wid

            @pl.when(r < NCH)
            def _():
                pltpu.make_async_copy(
                    ids_hbm.at[pl.ds(r * IDROWS_PER_CHUNK, IDROWS_PER_CHUNK)],
                    idx_v.at[b], sem_i[b]).wait()
                pltpu.make_async_copy(emb_hbm.at[pl.ds(r * C, C)],
                                      rows_v.at[b], sem_r[b]).wait()
                for j in range(IDROWS_PER_CHUNK):
                    pltpu.async_copy(rows_v.at[b, pl.ds(j * 128, 128)],
                                     acc_sh.at[idx_v.at[b, j]], sem_s[b],
                                     add=True)
                    for g in range(128 // 16):
                        idx16 = idx_v[b, j, pl.ds(g * 16, 16)]
                        plsc.addupdate_scatter(cnt_v, [idx16],
                                               jnp.ones((16,), jnp.float32))

        def drain_scatter(t, b):
            r = t * NW + wid

            @pl.when((r >= 0) & (r < NCH))
            def _():
                for j in range(IDROWS_PER_CHUNK):
                    pltpu.make_async_copy(
                        rows_v.at[b, pl.ds(j * 128, 128)],
                        acc_sh.at[idx_v.at[b, j]], sem_s[b]).wait()

        issue(0, 0)
        issue(1, 1)
        issue(2, 2)

        def body(g, _):
            for bb in range(NBUF):
                t = NBUF * g + bb
                wait_and_process(t, bb)
                drain_scatter(t - 3, (bb - 3) % NBUF)
                issue(t + 3, (bb + 3) % NBUF)
            return 0
        lax.fori_loop(0, LOOP_STEPS // NBUF, body, 0)

        drain_scatter(LOOP_STEPS - 3, (LOOP_STEPS - 3) % NBUF)
        drain_scatter(LOOP_STEPS - 2, (LOOP_STEPS - 2) % NBUF)
        drain_scatter(LOOP_STEPS - 1, (LOOP_STEPS - 1) % NBUF)

        plsc.subcore_barrier()

        s0 = sid * SEG_PER_TILE
        pltpu.sync_copy(acc_sh.at[pl.ds(s0, SEG_PER_TILE)],
                        out_sum.at[cid, pl.ds(s0, SEG_PER_TILE)])
        pltpu.sync_copy(cnt_v, out_cnt.at[wid])

    return seg_kernel(node_embedding, ids2)


def _tc_readout(psum, pcnt, W1, b1, W2, b2):

    def body(ps_ref, pc_ref, w1_ref, b1_ref, w2_ref, b2_ref, out_ref):
        sums = ps_ref[0] + ps_ref[1]
        counts = jnp.maximum(jnp.sum(pc_ref[...], axis=0), 1.0)
        g = sums / counts[:, None]
        h = jnp.dot(g, w1_ref[...], preferred_element_type=jnp.float32)
        h = jnp.maximum(h + b1_ref[0, :], 0.0)
        o = jnp.dot(h, w2_ref[...], preferred_element_type=jnp.float32)
        o = o + b2_ref[0, 0]
        out_ref[...] = 1.0 / (1.0 + jnp.exp(-o))

    return pl.pallas_call(
        body,
        out_shape=jax.ShapeDtypeStruct((B, 1), jnp.float32),
    )(psum, pcnt, W1, b1, W2, b2)


def kernel(node_embedding, segment_ids, W1, b1, W2, b2):
    ids2 = segment_ids.astype(jnp.int32).reshape(N // 128, 128)
    psum, pcnt = _sc_segment_sum(node_embedding, ids2)
    out = _tc_readout(psum, pcnt, W1, b1.reshape(1, D), W2, b2.reshape(1, 1))
    return out[:, 0]

# --- scband reference (transcript-rebuilt; emitter-appended) ---
"""Pipeline reference for scband-vigwrapper-27144193311194 (READ-ONLY COPY).

The authoritative reference and input builder live on the scoring server;
editing this copy changes nothing except your own understanding.
"""

import jax, jax.numpy as jnp
import numpy as np

N = 320000
D = 128
B = 1024

def setup_inputs(seed: int = 0) -> dict:
    key = jax.random.key(seed)
    k1, k2, k3, k4 = jax.random.split(key, 4)
    node_embedding = jax.random.normal(k1, (N, D), dtype=jnp.float32)
    segment_ids = jnp.sort(jax.random.randint(k2, (N,), 0, B).astype(jnp.int64))
    W1 = jax.random.normal(k3, (D, D), dtype=jnp.float32) / jnp.sqrt(D)
    b1 = jnp.zeros((D,), dtype=jnp.float32)
    W2 = jax.random.normal(k4, (D, 1), dtype=jnp.float32) / jnp.sqrt(D)
    b2 = jnp.zeros((1,), dtype=jnp.float32)
    return {"node_embedding": node_embedding, "segment_ids": segment_ids, "W1": W1, "b1": b1, "W2": W2, "b2": b2}

def reference(node_embedding, segment_ids, W1, b1, W2, b2):
    # dgl.ops.segment_reduce(num_variable, v_embedding, reducer='mean')
    # expressed with explicit segment ids: segment-sum / segment-count
    sums = jax.ops.segment_sum(node_embedding, segment_ids, num_segments=B)
    counts = jnp.bincount(segment_ids, length=B).astype(node_embedding.dtype)
    counts = jnp.maximum(counts, 1.0)
    g_pooling = sums / counts[:, None]
    # MLP graph readout (num_fc=2): Linear -> ReLU -> Linear, out_dim=1
    h = jax.nn.relu(g_pooling @ W1 + b1)
    g_embedding = (h @ W2 + b2).squeeze(-1)
    # sigmoid=True
    g_embedding = jax.nn.sigmoid(g_embedding)
    return g_embedding

if __name__ == "__main__":
    import jax
    _d = setup_inputs()
    print(jax.jit(kernel)(*tuple(_d.values())))

</pallas_src>

<mosaic_0001>
#map = affine_map<(d0, d1) -> (0, 0)>
#map1 = affine_map<(d0, d1) -> (0, 0, 0)>
module attributes {stable_mosaic.version = 14 : i64} {
  func.func @seg_kernel(%arg0: i32, %arg1: i32, %arg2: memref<320000x128xf32, #tpu.memory_space<hbm>>, %arg3: memref<2500x128xi32, #tpu.memory_space<hbm>>, %arg4: memref<2x1024x128xf32, #tpu.memory_space<hbm>>, %arg5: memref<32x1024xf32, #tpu.memory_space<hbm>>, %arg6: memref<6x128x128xf32, #tpu.memory_space<vmem>>, %arg7: memref<6x1x128xi32, #tpu.memory_space<vmem>>, %arg8: memref<64x128xf32, #tpu.memory_space<vmem>>, %arg9: memref<1024xf32, #tpu.memory_space<vmem>>, %arg10: memref<1024x128xf32, #tpu.memory_space<vmem_shared>>, %arg11: memref<!tpu.dma_semaphore, #tpu.memory_space<semaphore_mem>>, %arg12: memref<!tpu.dma_semaphore, #tpu.memory_space<semaphore_mem>>, %arg13: memref<!tpu.dma_semaphore, #tpu.memory_space<semaphore_mem>>, %arg14: memref<!tpu.dma_semaphore, #tpu.memory_space<semaphore_mem>>, %arg15: memref<!tpu.dma_semaphore, #tpu.memory_space<semaphore_mem>>, %arg16: memref<!tpu.dma_semaphore, #tpu.memory_space<semaphore_mem>>, %arg17: memref<!tpu.dma_semaphore, #tpu.memory_space<semaphore_mem>>, %arg18: memref<!tpu.dma_semaphore, #tpu.memory_space<semaphore_mem>>, %arg19: memref<!tpu.dma_semaphore, #tpu.memory_space<semaphore_mem>>, %arg20: memref<!tpu.dma_semaphore, #tpu.memory_space<semaphore_mem>>, %arg21: memref<!tpu.dma_semaphore, #tpu.memory_space<semaphore_mem>>, %arg22: memref<!tpu.dma_semaphore, #tpu.memory_space<semaphore_mem>>, %arg23: memref<!tpu.dma_semaphore, #tpu.memory_space<semaphore_mem>>, %arg24: memref<!tpu.dma_semaphore, #tpu.memory_space<semaphore_mem>>, %arg25: memref<!tpu.dma_semaphore, #tpu.memory_space<semaphore_mem>>, %arg26: memref<!tpu.dma_semaphore, #tpu.memory_space<semaphore_mem>>, %arg27: memref<!tpu.dma_semaphore, #tpu.memory_space<semaphore_mem>>, %arg28: memref<!tpu.dma_semaphore, #tpu.memory_space<semaphore_mem>>) attributes {dimension_semantics = [#tpu.dimension_semantics<core_parallel>, #tpu.dimension_semantics<subcore_parallel>], iteration_bounds = array<i64: 2, 16>, scalar_prefetch = 0 : i64, scratch_operands = 23 : i64, tpu.core_type = #tpu.core_type<sc_vector_subcore>, window_params = [{transform_indices = #map}, {transform_indices = #map}, {transform_indices = #map1}, {transform_indices = #map}]} {
    %mul3A = arith.constant 2 : i32
    %mul3A_0 = arith.muli %arg1, %mul3A : i32
    %add3A = arith.addi %mul3A_0, %arg0 : i32
    %scan3A = arith.constant 0 : i32
    %scan3A_1 = arith.constant 0 : i32
    %scan3A_2 = arith.constant 512 : i32
    %scan3A_3 = arith.addi %scan3A_1, %scan3A_2 : i32
    %scan3A_4 = arith.constant 1 : i32
    %scan3A_5 = scf.for %scan3A_72 = %scan3A_1 to %scan3A_3 step %scan3A_4 iter_args(%scan3A_73 = %scan3A) -> (i32)  : i32 {
      %jit3A = arith.constant 8 : i32
      %div3A = arith.divsi %scan3A_72, %jit3A : i32
      %sign3A = arith.constant 0 : i32
      %sign3A_74 = arith.cmpi sgt, %scan3A_72, %sign3A : i32
      %sign3A_75 = arith.extui %sign3A_74 : i1 to i32
      %sign3A_76 = arith.constant 0 : i32
      %sign3A_77 = arith.cmpi slt, %scan3A_72, %sign3A_76 : i32
      %sign3A_78 = arith.extui %sign3A_77 : i1 to i32
      %sign3A_79 = arith.subi %sign3A_75, %sign3A_78 : i32
      %sign3A_80 = arith.constant 0 : i32
      %sign3A_81 = arith.cmpi sgt, %jit3A, %sign3A_80 : i32
      %sign3A_82 = arith.extui %sign3A_81 : i1 to i32
      %sign3A_83 = arith.constant 0 : i32
      %sign3A_84 = arith.cmpi slt, %jit3A, %sign3A_83 : i32
      %sign3A_85 = arith.extui %sign3A_84 : i1 to i32
      %sign3A_86 = arith.subi %sign3A_82, %sign3A_85 : i32
      %ne3A = arith.cmpi ne, %sign3A_79, %sign3A_86 : i32
      %rem3A = arith.remsi %scan3A_72, %jit3A : i32
      %ne3A_87 = arith.constant 0 : i32
      %ne3A_88 = arith.cmpi ne, %rem3A, %ne3A_87 : i32
      %and3A_89 = arith.andi %ne3A, %ne3A_88 : i1
      %sub3A = arith.constant 1 : i32
      %sub3A_90 = arith.subi %div3A, %sub3A : i32
      %select_n3A = arith.select %and3A_89, %sub3A_90, %div3A : i32
      %jit3A_91 = arith.constant 8 : i32
      %eq3A = arith.constant 0 : i32
      %eq3A_92 = arith.cmpi eq, %jit3A_91, %eq3A : i32
      %jit3A_93 = arith.constant 1 : i32
      %select_n3A_94 = arith.select %eq3A_92, %jit3A_93, %jit3A_91 : i32
      %rem3A_95 = arith.remsi %scan3A_72, %select_n3A_94 : i32
      %ne3A_96 = arith.constant 0 : i32
      %ne3A_97 = arith.cmpi ne, %rem3A_95, %ne3A_96 : i32
      %lt3A_98 = arith.constant 0 : i32
      %lt3A_99 = arith.cmpi slt, %rem3A_95, %lt3A_98 : i32
      %lt3A_100 = arith.constant 0 : i32
      %lt3A_101 = arith.cmpi slt, %select_n3A_94, %lt3A_100 : i32
      %ne3A_102 = arith.xori %lt3A_99, %lt3A_101 : i1
      %and3A_103 = arith.andi %ne3A_102, %ne3A_97 : i1
      %add3A_104 = arith.addi %rem3A_95, %select_n3A_94 : i32
      %select_n3A_105 = arith.select %and3A_103, %add3A_104, %rem3A_95 : i32
      %broadcast_in_dim3A = arith.constant 0.000000e+00 : f32
      %broadcast_in_dim3A_106 = vector.broadcast %broadcast_in_dim3A : f32 to vector<16xf32>
      %mul3A_107 = arith.constant 16 : i32
      %mul3A_108 = arith.muli %select_n3A_105, %mul3A_107 : i32
      %swap3A = arith.index_cast %select_n3A : i32 to index
      %swap3A_109 = arith.index_cast %mul3A_108 : i32 to index
      %swap3A_110 = tpu.vector_load %arg8[%swap3A, %swap3A_109] {strides = array<i32>} : memref<64x128xf32, #tpu.memory_space<vmem>>, vector<16xf32>,
      tpu.vector_store %arg8[%swap3A, %swap3A_109], %broadcast_in_dim3A_106 {strides = array<i32>} : memref<64x128xf32, #tpu.memory_space<vmem>>, vector<16xf32>,
      %scan3A_111 = arith.constant 0 : i32
      scf.yield %scan3A_111 : i32
    }
    %scan3A_6 = arith.constant 512 : i32
    %scan3A_7 = arith.constant 0 : i32
    %scan3A_8 = arith.constant 0 : i32
    %scan3A_9 = arith.constant 64 : i32
    %scan3A_10 = arith.addi %scan3A_8, %scan3A_9 : i32
    %scan3A_11 = arith.constant 1 : i32
    %scan3A_12 = scf.for %scan3A_72 = %scan3A_8 to %scan3A_10 step %scan3A_11 iter_args(%scan3A_73 = %scan3A_7) -> (i32)  : i32 {
      %broadcast_in_dim3A = arith.constant 0.000000e+00 : f32
      %broadcast_in_dim3A_74 = vector.broadcast %broadcast_in_dim3A : f32 to vector<16xf32>
      %mul3A_75 = arith.constant 16 : i32
      %mul3A_76 = arith.muli %scan3A_72, %mul3A_75 : i32
      %swap3A = arith.index_cast %mul3A_76 : i32 to index
      %swap3A_77 = tpu.vector_load %arg9[%swap3A] {strides = array<i32>} : memref<1024xf32, #tpu.memory_space<vmem>>, vector<16xf32>,
      tpu.vector_store %arg9[%swap3A], %broadcast_in_dim3A_74 {strides = array<i32>} : memref<1024xf32, #tpu.memory_space<vmem>>, vector<16xf32>,
      %scan3A_78 = arith.constant 0 : i32
      scf.yield %scan3A_78 : i32
    }
    %scan3A_13 = arith.constant 64 : i32
    %mul3A_14 = arith.constant 64 : i32
    %mul3A_15 = arith.muli %arg1, %mul3A_14 : i32
    "tpu.region"() ({
      %run_scoped3A = tpu.sem_alloc : memref<!tpu.dma_semaphore, #tpu.memory_space<semaphore_mem>>
      %dma_start3A = arith.constant 0 : i32
      %dma_start3A_72 = tpu.memref_slice %arg10[%mul3A_15, %dma_start3A] : memref<1024x128xf32, #tpu.memory_space<vmem_shared>> -> memref<64x128xf32, #tpu.memory_space<vmem_shared>>
      %dma_start3A_73 = arith.constant 0 : i32
      %dma_start3A_74 = tpu.memref_slice %arg10[%mul3A_15, %dma_start3A_73] : memref<1024x128xf32, #tpu.memory_space<vmem_shared>> -> memref<64x128xf32, #tpu.memory_space<vmem_shared>>
      tpu.enqueue_dma source(%arg8 : memref<64x128xf32, #tpu.memory_space<vmem>>) target(%dma_start3A_74 : memref<64x128xf32, #tpu.memory_space<vmem_shared>>) target_semaphore(%run_scoped3A : memref<!tpu.dma_semaphore, #tpu.memory_space<semaphore_mem>>)
      %dma_wait3A = arith.constant 0 : i32
      %dma_wait3A_75 = tpu.memref_slice %arg10[%mul3A_15, %dma_wait3A] : memref<1024x128xf32, #tpu.memory_space<vmem_shared>> -> memref<64x128xf32, #tpu.memory_space<vmem_shared>>
      %dma_wait3A_76 = arith.constant 0 : i32
      %dma_wait3A_77 = tpu.memref_slice %arg10[%mul3A_15, %dma_wait3A_76] : memref<1024x128xf32, #tpu.memory_space<vmem_shared>> -> memref<64x128xf32, #tpu.memory_space<vmem_shared>>
      tpu.wait_dma2 semaphore(%run_scoped3A : memref<!tpu.dma_semaphore, #tpu.memory_space<semaphore_mem>>) src(%arg8 : memref<64x128xf32, #tpu.memory_space<vmem>>) dst(%dma_wait3A_77 : memref<64x128xf32, #tpu.memory_space<vmem_shared>>)
      tpu.yield
    }) : () -> ()
    %barrier3A = arith.constant 0 : index
    tpu.barrier barrier_id(%barrier3A)
    %add3A_16 = arith.constant 0 : i32
    %add3A_17 = arith.addi %add3A_16, %add3A : i32
    %lt3A = arith.constant 2500 : i32
    %lt3A_18 = arith.cmpi slt, %add3A_17, %lt3A : i32
    %convert_element_type3A = arith.extui %lt3A_18 : i1 to i32
    %cond3A = arith.constant 0 : i32
    %cond3A_19 = arith.cmpi ne, %convert_element_type3A, %cond3A : i32
    scf.if %cond3A_19 {
      %mul3A_72 = arith.constant 1 : i32
      %mul3A_73 = arith.muli %add3A_17, %mul3A_72 : i32
      %dma_start3A = arith.constant 0 : i32
      %dma_start3A_74 = arith.constant 0 : i32
      %dma_start3A_75 = arith.constant 0 : i32
      %dma_start3A_76 = tpu.memref_slice %arg7[%dma_start3A, %dma_start3A_74, %dma_start3A_75] : memref<6x1x128xi32, #tpu.memory_space<vmem>> -> memref<1x1x128xi32, #tpu.memory_space<vmem>>
      %dma_start3A_77 = tpu.memref_squeeze %dma_start3A_76 : memref<1x1x128xi32, #tpu.memory_space<vmem>> -> memref<1x128xi32, #tpu.memory_space<vmem>>
      %dma_start3A_78 = arith.constant 0 : i32
      %dma_start3A_79 = tpu.memref_slice %arg3[%mul3A_73, %dma_start3A_78] : memref<2500x128xi32, #tpu.memory_space<hbm>> -> memref<1x128xi32, #tpu.memory_space<hbm>>
      %dma_start3A_80 = arith.constant 0 : i32
      %dma_start3A_81 = arith.constant 0 : i32
      %dma_start3A_82 = tpu.memref_slice %arg7[%dma_start3A, %dma_start3A_80, %dma_start3A_81] : memref<6x1x128xi32, #tpu.memory_space<vmem>> -> memref<1x1x128xi32, #tpu.memory_space<vmem>>
      %dma_start3A_83 = tpu.memref_squeeze %dma_start3A_82 : memref<1x1x128xi32, #tpu.memory_space<vmem>> -> memref<1x128xi32, #tpu.memory_space<vmem>>
      %dma_start3A_84 = arith.constant 0 : i32
      %dma_start3A_85 = tpu.memref_slice %arg3[%mul3A_73, %dma_start3A_84] : memref<2500x128xi32, #tpu.memory_space<hbm>> -> memref<1x128xi32, #tpu.memory_space<hbm>>
      tpu.enqueue_dma source(%dma_start3A_85 : memref<1x128xi32, #tpu.memory_space<hbm>>) target(%dma_start3A_83 : memref<1x128xi32, #tpu.memory_space<vmem>>) target_semaphore(%arg17 : memref<!tpu.dma_semaphore, #tpu.memory_space<semaphore_mem>>)
      %mul3A_86 = arith.constant 128 : i32
      %mul3A_87 = arith.muli %add3A_17, %mul3A_86 : i32
      %dma_start3A_88 = arith.constant 0 : i32
      %dma_start3A_89 = arith.constant 0 : i32
      %dma_start3A_90 = arith.constant 0 : i32
      %dma_start3A_91 = tpu.memref_slice %arg6[%dma_start3A_88, %dma_start3A_89, %dma_start3A_90] : memref<6x128x128xf32, #tpu.memory_space<vmem>> -> memref<1x128x128xf32, #tpu.memory_space<vmem>>
      %dma_start3A_92 = tpu.memref_squeeze %dma_start3A_91 : memref<1x128x128xf32, #tpu.memory_space<vmem>> -> memref<128x128xf32, #tpu.memory_space<vmem>>
      %dma_start3A_93 = arith.constant 0 : i32
      %dma_start3A_94 = tpu.memref_slice %arg2[%mul3A_87, %dma_start3A_93] : memref<320000x128xf32, #tpu.memory_space<hbm>> -> memref<128x128xf32, #tpu.memory_space<hbm>>
      %dma_start3A_95 = arith.constant 0 : i32
      %dma_start3A_96 = arith.constant 0 : i32
      %dma_start3A_97 = tpu.memref_slice %arg6[%dma_start3A_88, %dma_start3A_95, %dma_start3A_96] : memref<6x128x128xf32, #tpu.memory_space<vmem>> -> memref<1x128x128xf32, #tpu.memory_space<vmem>>
      %dma_start3A_98 = tpu.memref_squeeze %dma_start3A_97 : memref<1x128x128xf32, #tpu.memory_space<vmem>> -> memref<128x128xf32, #tpu.memory_space<vmem>>
      %dma_start3A_99 = arith.constant 0 : i32
      %dma_start3A_100 = tpu.memref_slice %arg2[%mul3A_87, %dma_start3A_99] : memref<320000x128xf32, #tpu.memory_space<hbm>> -> memref<128x128xf32, #tpu.memory_space<hbm>>
      tpu.enqueue_dma source(%dma_start3A_100 : memref<128x128xf32, #tpu.memory_space<hbm>>) target(%dma_start3A_98 : memref<128x128xf32, #tpu.memory_space<vmem>>) target_semaphore(%arg11 : memref<!tpu.dma_semaphore, #tpu.memory_space<semaphore_mem>>)
    } else {
    }
    %add3A_20 = arith.constant 32 : i32
    %add3A_21 = arith.addi %add3A_20, %add3A : i32
    %lt3A_22 = arith.constant 2500 : i32
    %lt3A_23 = arith.cmpi slt, %add3A_21, %lt3A_22 : i32
    %convert_element_type3A_24 = arith.extui %lt3A_23 : i1 to i32
    %cond3A_25 = arith.constant 0 : i32
    %cond3A_26 = arith.cmpi ne, %convert_element_type3A_24, %cond3A_25 : i32
    scf.if %cond3A_26 {
      %mul3A_72 = arith.constant 1 : i32
      %mul3A_73 = arith.muli %add3A_21, %mul3A_72 : i32
      %dma_start3A = arith.constant 1 : i32
      %dma_start3A_74 = arith.constant 0 : i32
      %dma_start3A_75 = arith.constant 0 : i32
      %dma_start3A_76 = tpu.memref_slice %arg7[%dma_start3A, %dma_start3A_74, %dma_start3A_75] : memref<6x1x128xi32, #tpu.memory_space<vmem>> -> memref<1x1x128xi32, #tpu.memory_space<vmem>>
      %dma_start3A_77 = tpu.memref_squeeze %dma_start3A_76 : memref<1x1x128xi32, #tpu.memory_space<vmem>> -> memref<1x128xi32, #tpu.memory_space<vmem>>
      %dma_start3A_78 = arith.constant 0 : i32
      %dma_start3A_79 = tpu.memref_slice %arg3[%mul3A_73, %dma_start3A_78] : memref<2500x128xi32, #tpu.memory_space<hbm>> -> memref<1x128xi32, #tpu.memory_space<hbm>>
      %dma_start3A_80 = arith.constant 0 : i32
      %dma_start3A_81 = arith.constant 0 : i32
      %dma_start3A_82 = tpu.memref_slice %arg7[%dma_start3A, %dma_start3A_80, %dma_start3A_81] : memref<6x1x128xi32, #tpu.memory_space<vmem>> -> memref<1x1x128xi32, #tpu.memory_space<vmem>>
      %dma_start3A_83 = tpu.memref_squeeze %dma_start3A_82 : memref<1x1x128xi32, #tpu.memory_space<vmem>> -> memref<1x128xi32, #tpu.memory_space<vmem>>
      %dma_start3A_84 = arith.constant 0 : i32
      %dma_start3A_85 = tpu.memref_slice %arg3[%mul3A_73, %dma_start3A_84] : memref<2500x128xi32, #tpu.memory_space<hbm>> -> memref<1x128xi32, #tpu.memory_space<hbm>>
      tpu.enqueue_dma source(%dma_start3A_85 : memref<1x128xi32, #tpu.memory_space<hbm>>) target(%dma_start3A_83 : memref<1x128xi32, #tpu.memory_space<vmem>>) target_semaphore(%arg18 : memref<!tpu.dma_semaphore, #tpu.memory_space<semaphore_mem>>)
      %mul3A_86 = arith.constant 128 : i32
      %mul3A_87 = arith.muli %add3A_21, %mul3A_86 : i32
      %dma_start3A_88 = arith.constant 1 : i32
      %dma_start3A_89 = arith.constant 0 : i32
      %dma_start3A_90 = arith.constant 0 : i32
      %dma_start3A_91 = tpu.memref_slice %arg6[%dma_start3A_88, %dma_start3A_89, %dma_start3A_90] : memref<6x128x128xf32, #tpu.memory_space<vmem>> -> memref<1x128x128xf32, #tpu.memory_space<vmem>>
      %dma_start3A_92 = tpu.memref_squeeze %dma_start3A_91 : memref<1x128x128xf32, #tpu.memory_space<vmem>> -> memref<128x128xf32, #tpu.memory_space<vmem>>
      %dma_start3A_93 = arith.constant 0 : i32
      %dma_start3A_94 = tpu.memref_slice %arg2[%mul3A_87, %dma_start3A_93] : memref<320000x128xf32, #tpu.memory_space<hbm>> -> memref<128x128xf32, #tpu.memory_space<hbm>>
      %dma_start3A_95 = arith.constant 0 : i32
      %dma_start3A_96 = arith.constant 0 : i32
      %dma_start3A_97 = tpu.memref_slice %arg6[%dma_start3A_88, %dma_start3A_95, %dma_start3A_96] : memref<6x128x128xf32, #tpu.memory_space<vmem>> -> memref<1x128x128xf32, #tpu.memory_space<vmem>>
      %dma_start3A_98 = tpu.memref_squeeze %dma_start3A_97 : memref<1x128x128xf32, #tpu.memory_space<vmem>> -> memref<128x128xf32, #tpu.memory_space<vmem>>
      %dma_start3A_99 = arith.constant 0 : i32
      %dma_start3A_100 = tpu.memref_slice %arg2[%mul3A_87, %dma_start3A_99] : memref<320000x128xf32, #tpu.memory_space<hbm>> -> memref<128x128xf32, #tpu.memory_space<hbm>>
      tpu.enqueue_dma source(%dma_start3A_100 : memref<128x128xf32, #tpu.memory_space<hbm>>) target(%dma_start3A_98 : memref<128x128xf32, #tpu.memory_space<vmem>>) target_semaphore(%arg12 : memref<!tpu.dma_semaphore, #tpu.memory_space<semaphore_mem>>)
    } else {
    }
    %add3A_27 = arith.constant 64 : i32
    %add3A_28 = arith.addi %add3A_27, %add3A : i32
    %lt3A_29 = arith.constant 2500 : i32
    %lt3A_30 = arith.cmpi slt, %add3A_28, %lt3A_29 : i32
    %convert_element_type3A_31 = arith.extui %lt3A_30 : i1 to i32
    %cond3A_32 = arith.constant 0 : i32
    %cond3A_33 = arith.cmpi ne, %convert_element_type3A_31, %cond3A_32 : i32
    scf.if %cond3A_33 {
      %mul3A_72 = arith.constant 1 : i32
      %mul3A_73 = arith.muli %add3A_28, %mul3A_72 : i32
      %dma_start3A = arith.constant 2 : i32
      %dma_start3A_74 = arith.constant 0 : i32
      %dma_start3A_75 = arith.constant 0 : i32
      %dma_start3A_76 = tpu.memref_slice %arg7[%dma_start3A, %dma_start3A_74, %dma_start3A_75] : memref<6x1x128xi32, #tpu.memory_space<vmem>> -> memref<1x1x128xi32, #tpu.memory_space<vmem>>
      %dma_start3A_77 = tpu.memref_squeeze %dma_start3A_76 : memref<1x1x128xi32, #tpu.memory_space<vmem>> -> memref<1x128xi32, #tpu.memory_space<vmem>>
      %dma_start3A_78 = arith.constant 0 : i32
      %dma_start3A_79 = tpu.memref_slice %arg3[%mul3A_73, %dma_start3A_78] : memref<2500x128xi32, #tpu.memory_space<hbm>> -> memref<1x128xi32, #tpu.memory_space<hbm>>
      %dma_start3A_80 = arith.constant 0 : i32
      %dma_start3A_81 = arith.constant 0 : i32
      %dma_start3A_82 = tpu.memref_slice %arg7[%dma_start3A, %dma_start3A_80, %dma_start3A_81] : memref<6x1x128xi32, #tpu.memory_space<vmem>> -> memref<1x1x128xi32, #tpu.memory_space<vmem>>
      %dma_start3A_83 = tpu.memref_squeeze %dma_start3A_82 : memref<1x1x128xi32, #tpu.memory_space<vmem>> -> memref<1x128xi32, #tpu.memory_space<vmem>>
      %dma_start3A_84 = arith.constant 0 : i32
      %dma_start3A_85 = tpu.memref_slice %arg3[%mul3A_73, %dma_start3A_84] : memref<2500x128xi32, #tpu.memory_space<hbm>> -> memref<1x128xi32, #tpu.memory_space<hbm>>
      tpu.enqueue_dma source(%dma_start3A_85 : memref<1x128xi32, #tpu.memory_space<hbm>>) target(%dma_start3A_83 : memref<1x128xi32, #tpu.memory_space<vmem>>) target_semaphore(%arg19 : memref<!tpu.dma_semaphore, #tpu.memory_space<semaphore_mem>>)
      %mul3A_86 = arith.constant 128 : i32
      %mul3A_87 = arith.muli %add3A_28, %mul3A_86 : i32
      %dma_start3A_88 = arith.constant 2 : i32
      %dma_start3A_89 = arith.constant 0 : i32
      %dma_start3A_90 = arith.constant 0 : i32
      %dma_start3A_91 = tpu.memref_slice %arg6[%dma_start3A_88, %dma_start3A_89, %dma_start3A_90] : memref<6x128x128xf32, #tpu.memory_space<vmem>> -> memref<1x128x128xf32, #tpu.memory_space<vmem>>
      %dma_start3A_92 = tpu.memref_squeeze %dma_start3A_91 : memref<1x128x128xf32, #tpu.memory_space<vmem>> -> memref<128x128xf32, #tpu.memory_space<vmem>>
      %dma_start3A_93 = arith.constant 0 : i32
      %dma_start3A_94 = tpu.memref_slice %arg2[%mul3A_87, %dma_start3A_93] : memref<320000x128xf32, #tpu.memory_space<hbm>> -> memref<128x128xf32, #tpu.memory_space<hbm>>
      %dma_start3A_95 = arith.constant 0 : i32
      %dma_start3A_96 = arith.constant 0 : i32
      %dma_start3A_97 = tpu.memref_slice %arg6[%dma_start3A_88, %dma_start3A_95, %dma_start3A_96] : memref<6x128x128xf32, #tpu.memory_space<vmem>> -> memref<1x128x128xf32, #tpu.memory_space<vmem>>
      %dma_start3A_98 = tpu.memref_squeeze %dma_start3A_97 : memref<1x128x128xf32, #tpu.memory_space<vmem>> -> memref<128x128xf32, #tpu.memory_space<vmem>>
      %dma_start3A_99 = arith.constant 0 : i32
      %dma_start3A_100 = tpu.memref_slice %arg2[%mul3A_87, %dma_start3A_99] : memref<320000x128xf32, #tpu.memory_space<hbm>> -> memref<128x128xf32, #tpu.memory_space<hbm>>
      tpu.enqueue_dma source(%dma_start3A_100 : memref<128x128xf32, #tpu.memory_space<hbm>>) target(%dma_start3A_98 : memref<128x128xf32, #tpu.memory_space<vmem>>) target_semaphore(%arg13 : memref<!tpu.dma_semaphore, #tpu.memory_space<semaphore_mem>>)
    } else {
    }
    %scan3A_34 = arith.constant 0 : i32
    %scan3A_35 = arith.constant 0 : i32
    %scan3A_36 = arith.constant 14 : i32
    %scan3A_37 = arith.addi %scan3A_35, %scan3A_36 : i32
    %scan3A_38 = arith.constant 1 : i32
    %scan3A_39 = scf.for %scan3A_72 = %scan3A_35 to %scan3A_37 step %scan3A_38 iter_args(%scan3A_73 = %scan3A_34) -> (i32)  : i32 {
      %mul3A_74 = arith.constant 6 : i32
      %mul3A_75 = arith.muli %mul3A_74, %scan3A_72 : i32
      %add3A_76 = arith.constant 0 : i32
      %add3A_77 = arith.addi %mul3A_75, %add3A_76 : i32
      %mul3A_78 = arith.constant 32 : i32
      %mul3A_79 = arith.muli %add3A_77, %mul3A_78 : i32
      %add3A_80 = arith.addi %mul3A_79, %add3A : i32
      %lt3A_81 = arith.constant 2500 : i32
      %lt3A_82 = arith.cmpi slt, %add3A_80, %lt3A_81 : i32
      %convert_element_type3A_83 = arith.extui %lt3A_82 : i1 to i32
      %cond3A_84 = arith.constant 0 : i32
      %cond3A_85 = arith.cmpi ne, %convert_element_type3A_83, %cond3A_84 : i32
      scf.if %cond3A_85 {
        %mul3A_284 = arith.constant 1 : i32
        %mul3A_285 = arith.muli %add3A_80, %mul3A_284 : i32
        %dma_wait3A = arith.constant 0 : i32
        %dma_wait3A_286 = arith.constant 0 : i32
        %dma_wait3A_287 = arith.constant 0 : i32
        %dma_wait3A_288 = tpu.memref_slice %arg7[%dma_wait3A, %dma_wait3A_286, %dma_wait3A_287] : memref<6x1x128xi32, #tpu.memory_space<vmem>> -> memref<1x1x128xi32, #tpu.memory_space<vmem>>
        %dma_wait3A_289 = tpu.memref_squeeze %dma_wait3A_288 : memref<1x1x128xi32, #tpu.memory_space<vmem>> -> memref<1x128xi32, #tpu.memory_space<vmem>>
        %dma_wait3A_290 = arith.constant 0 : i32
        %dma_wait3A_291 = tpu.memref_slice %arg3[%mul3A_285, %dma_wait3A_290] : memref<2500x128xi32, #tpu.memory_space<hbm>> -> memref<1x128xi32, #tpu.memory_space<hbm>>
        %dma_wait3A_292 = arith.constant 0 : i32
        %dma_wait3A_293 = arith.constant 0 : i32
        %dma_wait3A_294 = tpu.memref_slice %arg7[%dma_wait3A, %dma_wait3A_292, %dma_wait3A_293] : memref<6x1x128xi32, #tpu.memory_space<vmem>> -> memref<1x1x128xi32, #tpu.memory_space<vmem>>
        %dma_wait3A_295 = tpu.memref_squeeze %dma_wait3A_294 : memref<1x1x128xi32, #tpu.memory_space<vmem>> -> memref<1x128xi32, #tpu.memory_space<vmem>>
        %dma_wait3A_296 = arith.constant 0 : i32
        %dma_wait3A_297 = tpu.memref_slice %arg3[%mul3A_285, %dma_wait3A_296] : memref<2500x128xi32, #tpu.memory_space<hbm>> -> memref<1x128xi32, #tpu.memory_space<hbm>>
        tpu.wait_dma2 semaphore(%arg17 : memref<!tpu.dma_semaphore, #tpu.memory_space<semaphore_mem>>) src(%dma_wait3A_297 : memref<1x128xi32, #tpu.memory_space<hbm>>) dst(%dma_wait3A_295 : memref<1x128xi32, #tpu.memory_space<vmem>>)
        %mul3A_298 = arith.constant 128 : i32
        %mul3A_299 = arith.muli %add3A_80, %mul3A_298 : i32
        %dma_wait3A_300 = arith.constant 0 : i32
        %dma_wait3A_301 = arith.constant 0 : i32
        %dma_wait3A_302 = arith.constant 0 : i32
        %dma_wait3A_303 = tpu.memref_slice %arg6[%dma_wait3A_300, %dma_wait3A_301, %dma_wait3A_302] : memref<6x128x128xf32, #tpu.memory_space<vmem>> -> memref<1x128x128xf32, #tpu.memory_space<vmem>>
        %dma_wait3A_304 = tpu.memref_squeeze %dma_wait3A_303 : memref<1x128x128xf32, #tpu.memory_space<vmem>> -> memref<128x128xf32, #tpu.memory_space<vmem>>
        %dma_wait3A_305 = arith.constant 0 : i32
        %dma_wait3A_306 = tpu.memref_slice %arg2[%mul3A_299, %dma_wait3A_305] : memref<320000x128xf32, #tpu.memory_space<hbm>> -> memref<128x128xf32, #tpu.memory_space<hbm>>
        %dma_wait3A_307 = arith.constant 0 : i32
        %dma_wait3A_308 = arith.constant 0 : i32
        %dma_wait3A_309 = tpu.memref_slice %arg6[%dma_wait3A_300, %dma_wait3A_307, %dma_wait3A_308] : memref<6x128x128xf32, #tpu.memory_space<vmem>> -> memref<1x128x128xf32, #tpu.memory_space<vmem>>
        %dma_wait3A_310 = tpu.memref_squeeze %dma_wait3A_309 : memref<1x128x128xf32, #tpu.memory_space<vmem>> -> memref<128x128xf32, #tpu.memory_space<vmem>>
        %dma_wait3A_311 = arith.constant 0 : i32
        %dma_wait3A_312 = tpu.memref_slice %arg2[%mul3A_299, %dma_wait3A_311] : memref<320000x128xf32, #tpu.memory_space<hbm>> -> memref<128x128xf32, #tpu.memory_space<hbm>>
        tpu.wait_dma2 semaphore(%arg11 : memref<!tpu.dma_semaphore, #tpu.memory_space<semaphore_mem>>) src(%dma_wait3A_312 : memref<128x128xf32, #tpu.memory_space<hbm>>) dst(%dma_wait3A_310 : memref<128x128xf32, #tpu.memory_space<vmem>>)
        %dma_start3A = arith.constant 0 : i32
        %dma_start3A_313 = arith.constant 0 : i32
        %dma_start3A_314 = arith.constant 0 : i32
        %dma_start3A_315 = arith.constant 0 : i32
        %dma_start3A_316 = arith.constant 0 : i32
        %dma_start3A_317 = tpu.memref_slice %arg6[%dma_start3A, %dma_start3A_315, %dma_start3A_316] : memref<6x128x128xf32, #tpu.memory_space<vmem>> -> memref<1x128x128xf32, #tpu.memory_space<vmem>>
        %dma_start3A_318 = tpu.memref_squeeze %dma_start3A_317 : memref<1x128x128xf32, #tpu.memory_space<vmem>> -> memref<128x128xf32, #tpu.memory_space<vmem>>
        %dma_start3A_319 = arith.constant 0 : i32
        %dma_start3A_320 = tpu.memref_slice %arg7[%dma_start3A_313, %dma_start3A_314, %dma_start3A_319] : memref<6x1x128xi32, #tpu.memory_space<vmem>> -> memref<1x1x128xi32, #tpu.memory_space<vmem>>
        %dma_start3A_321 = tpu.memref_squeeze %dma_start3A_320 : memref<1x1x128xi32, #tpu.memory_space<vmem>> -> memref<128xi32, #tpu.memory_space<vmem>>
        %dma_start3A_322 = arith.constant 0 : i32
        %dma_start3A_323 = arith.constant 0 : i32
        %dma_start3A_324 = tpu.memref_slice %arg10[%dma_start3A_322, %dma_start3A_323] : memref<1024x128xf32, #tpu.memory_space<vmem_shared>> -> memref<1024x128xf32, #tpu.memory_space<vmem_shared>>
        tpu.enqueue_indirect_dma source(%dma_start3A_318 : memref<128x128xf32, #tpu.memory_space<vmem>>) target(%dma_start3A_324 : memref<1024x128xf32, #tpu.memory_space<vmem_shared>>) offsets(%dma_start3A_321 : memref<128xi32, #tpu.memory_space<vmem>>) semaphore(%arg23 : memref<!tpu.dma_semaphore, #tpu.memory_space<semaphore_mem>>) {add = true}
        %get3A = arith.constant 0 : i32
        %get3A_325 = arith.constant 0 : i32
        %get3A_326 = arith.index_cast %get3A : i32 to index
        %get3A_327 = arith.index_cast %get3A_325 : i32 to index
        %get3A_328 = arith.constant 0 : index
        %get3A_329 = tpu.vector_load %arg7[%get3A_326, %get3A_327, %get3A_328] {strides = array<i32>} : memref<6x1x128xi32, #tpu.memory_space<vmem>>, vector<16xi32>,
        %broadcast_in_dim3A = arith.constant 1.000000e+00 : f32
        %broadcast_in_dim3A_330 = vector.broadcast %broadcast_in_dim3A : f32 to vector<16xf32>
        tpu.vector_store_idx %arg9[%get3A_329], %broadcast_in_dim3A_330 {add = true} : memref<1024xf32, #tpu.memory_space<vmem>>[vector<16xi32>], vector<16xf32>,
        %get3A_331 = arith.constant 0 : i32
        %get3A_332 = arith.constant 0 : i32
        %get3A_333 = arith.index_cast %get3A_331 : i32 to index
        %get3A_334 = arith.index_cast %get3A_332 : i32 to index
        %get3A_335 = arith.constant 16 : index
        %get3A_336 = tpu.vector_load %arg7[%get3A_333, %get3A_334, %get3A_335] {strides = array<i32>} : memref<6x1x128xi32, #tpu.memory_space<vmem>>, vector<16xi32>,
        %broadcast_in_dim3A_337 = arith.constant 1.000000e+00 : f32
        %broadcast_in_dim3A_338 = vector.broadcast %broadcast_in_dim3A_337 : f32 to vector<16xf32>
        tpu.vector_store_idx %arg9[%get3A_336], %broadcast_in_dim3A_338 {add = true} : memref<1024xf32, #tpu.memory_space<vmem>>[vector<16xi32>], vector<16xf32>,
        %get3A_339 = arith.constant 0 : i32
        %get3A_340 = arith.constant 0 : i32
        %get3A_341 = arith.index_cast %get3A_339 : i32 to index
        %get3A_342 = arith.index_cast %get3A_340 : i32 to index
        %get3A_343 = arith.constant 32 : index
        %get3A_344 = tpu.vector_load %arg7[%get3A_341, %get3A_342, %get3A_343] {strides = array<i32>} : memref<6x1x128xi32, #tpu.memory_space<vmem>>, vector<16xi32>,
        %broadcast_in_dim3A_345 = arith.constant 1.000000e+00 : f32
        %broadcast_in_dim3A_346 = vector.broadcast %broadcast_in_dim3A_345 : f32 to vector<16xf32>
        tpu.vector_store_idx %arg9[%get3A_344], %broadcast_in_dim3A_346 {add = true} : memref<1024xf32, #tpu.memory_space<vmem>>[vector<16xi32>], vector<16xf32>,
        %get3A_347 = arith.constant 0 : i32
        %get3A_348 = arith.constant 0 : i32
        %get3A_349 = arith.index_cast %get3A_347 : i32 to index
        %get3A_350 = arith.index_cast %get3A_348 : i32 to index
        %get3A_351 = arith.constant 48 : index
        %get3A_352 = tpu.vector_load %arg7[%get3A_349, %get3A_350, %get3A_351] {strides = array<i32>} : memref<6x1x128xi32, #tpu.memory_space<vmem>>, vector<16xi32>,
        %broadcast_in_dim3A_353 = arith.constant 1.000000e+00 : f32
        %broadcast_in_dim3A_354 = vector.broadcast %broadcast_in_dim3A_353 : f32 to vector<16xf32>
        tpu.vector_store_idx %arg9[%get3A_352], %broadcast_in_dim3A_354 {add = true} : memref<1024xf32, #tpu.memory_space<vmem>>[vector<16xi32>], vector<16xf32>,
        %get3A_355 = arith.constant 0 : i32
        %get3A_356 = arith.constant 0 : i32
        %get3A_357 = arith.index_cast %get3A_355 : i32 to index
        %get3A_358 = arith.index_cast %get3A_356 : i32 to index
        %get3A_359 = arith.constant 64 : index
        %get3A_360 = tpu.vector_load %arg7[%get3A_357, %get3A_358, %get3A_359] {strides = array<i32>} : memref<6x1x128xi32, #tpu.memory_space<vmem>>, vector<16xi32>,
        %broadcast_in_dim3A_361 = arith.constant 1.000000e+00 : f32
        %broadcast_in_dim3A_362 = vector.broadcast %broadcast_in_dim3A_361 : f32 to vector<16xf32>
        tpu.vector_store_idx %arg9[%get3A_360], %broadcast_in_dim3A_362 {add = true} : memref<1024xf32, #tpu.memory_space<vmem>>[vector<16xi32>], vector<16xf32>,
        %get3A_363 = arith.constant 0 : i32
        %get3A_364 = arith.constant 0 : i32
        %get3A_365 = arith.index_cast %get3A_363 : i32 to index
        %get3A_366 = arith.index_cast %get3A_364 : i32 to index
        %get3A_367 = arith.constant 80 : index
        %get3A_368 = tpu.vector_load %arg7[%get3A_365, %get3A_366, %get3A_367] {strides = array<i32>} : memref<6x1x128xi32, #tpu.memory_space<vmem>>, vector<16xi32>,
        %broadcast_in_dim3A_369 = arith.constant 1.000000e+00 : f32
        %broadcast_in_dim3A_370 = vector.broadcast %broadcast_in_dim3A_369 : f32 to vector<16xf32>
        tpu.vector_store_idx %arg9[%get3A_368], %broadcast_in_dim3A_370 {add = true} : memref<1024xf32, #tpu.memory_space<vmem>>[vector<16xi32>], vector<16xf32>,
        %get3A_371 = arith.constant 0 : i32
        %get3A_372 = arith.constant 0 : i32
        %get3A_373 = arith.index_cast %get3A_371 : i32 to index
        %get3A_374 = arith.index_cast %get3A_372 : i32 to index
        %get3A_375 = arith.constant 96 : index
        %get3A_376 = tpu.vector_load %arg7[%get3A_373, %get3A_374, %get3A_375] {strides = array<i32>} : memref<6x1x128xi32, #tpu.memory_space<vmem>>, vector<16xi32>,
        %broadcast_in_dim3A_377 = arith.constant 1.000000e+00 : f32
        %broadcast_in_dim3A_378 = vector.broadcast %broadcast_in_dim3A_377 : f32 to vector<16xf32>
        tpu.vector_store_idx %arg9[%get3A_376], %broadcast_in_dim3A_378 {add = true} : memref<1024xf32, #tpu.memory_space<vmem>>[vector<16xi32>], vector<16xf32>,
        %get3A_379 = arith.constant 0 : i32
        %get3A_380 = arith.constant 0 : i32
        %get3A_381 = arith.index_cast %get3A_379 : i32 to index
        %get3A_382 = arith.index_cast %get3A_380 : i32 to index
        %get3A_383 = arith.constant 112 : index
        %get3A_384 = tpu.vector_load %arg7[%get3A_381, %get3A_382, %get3A_383] {strides = array<i32>} : memref<6x1x128xi32, #tpu.memory_space<vmem>>, vector<16xi32>,
        %broadcast_in_dim3A_385 = arith.constant 1.000000e+00 : f32
        %broadcast_in_dim3A_386 = vector.broadcast %broadcast_in_dim3A_385 : f32 to vector<16xf32>
        tpu.vector_store_idx %arg9[%get3A_384], %broadcast_in_dim3A_386 {add = true} : memref<1024xf32, #tpu.memory_space<vmem>>[vector<16xi32>], vector<16xf32>,
      } else {
      }
      %sub3A = arith.constant 3 : i32
      %sub3A_86 = arith.subi %add3A_77, %sub3A : i32
      %mul3A_87 = arith.constant 32 : i32
      %mul3A_88 = arith.muli %sub3A_86, %mul3A_87 : i32
      %add3A_89 = arith.addi %mul3A_88, %add3A : i32
      %ge3A_90 = arith.constant 0 : i32
      %ge3A_91 = arith.cmpi sge, %add3A_89, %ge3A_90 : i32
      %lt3A_92 = arith.constant 2500 : i32
      %lt3A_93 = arith.cmpi slt, %add3A_89, %lt3A_92 : i32
      %and3A_94 = arith.andi %ge3A_91, %lt3A_93 : i1
      %convert_element_type3A_95 = arith.extui %and3A_94 : i1 to i32
      %cond3A_96 = arith.constant 0 : i32
      %cond3A_97 = arith.cmpi ne, %convert_element_type3A_95, %cond3A_96 : i32
      scf.if %cond3A_97 {
        %dma_wait3A = arith.constant 3 : i32
        %dma_wait3A_284 = arith.constant 3 : i32
        %dma_wait3A_285 = arith.constant 0 : i32
        %dma_wait3A_286 = arith.constant 0 : i32
        %dma_wait3A_287 = arith.constant 0 : i32
        %dma_wait3A_288 = tpu.memref_slice %arg6[%dma_wait3A, %dma_wait3A_286, %dma_wait3A_287] : memref<6x128x128xf32, #tpu.memory_space<vmem>> -> memref<1x128x128xf32, #tpu.memory_space<vmem>>
        %dma_wait3A_289 = tpu.memref_squeeze %dma_wait3A_288 : memref<1x128x128xf32, #tpu.memory_space<vmem>> -> memref<128x128xf32, #tpu.memory_space<vmem>>
        %dma_wait3A_290 = arith.constant 0 : i32
        %dma_wait3A_291 = tpu.memref_slice %arg7[%dma_wait3A_284, %dma_wait3A_285, %dma_wait3A_290] : memref<6x1x128xi32, #tpu.memory_space<vmem>> -> memref<1x1x128xi32, #tpu.memory_space<vmem>>
        %dma_wait3A_292 = tpu.memref_squeeze %dma_wait3A_291 : memref<1x1x128xi32, #tpu.memory_space<vmem>> -> memref<128xi32, #tpu.memory_space<vmem>>
        %dma_wait3A_293 = arith.constant 0 : i32
        %dma_wait3A_294 = arith.constant 0 : i32
        %dma_wait3A_295 = tpu.memref_slice %arg10[%dma_wait3A_293, %dma_wait3A_294] : memref<1024x128xf32, #tpu.memory_space<vmem_shared>> -> memref<1024x128xf32, #tpu.memory_space<vmem_shared>>
        tpu.wait_indirect_dma semaphore(%arg26 : memref<!tpu.dma_semaphore, #tpu.memory_space<semaphore_mem>>) src(%dma_wait3A_289 : memref<128x128xf32, #tpu.memory_space<vmem>>) dst(%dma_wait3A_295 : memref<1024x128xf32, #tpu.memory_space<vmem_shared>>)
      } else {
      }
      %add3A_98 = arith.constant 3 : i32
      %add3A_99 = arith.addi %add3A_77, %add3A_98 : i32
      %mul3A_100 = arith.constant 32 : i32
      %mul3A_101 = arith.muli %add3A_99, %mul3A_100 : i32
      %add3A_102 = arith.addi %mul3A_101, %add3A : i32
      %lt3A_103 = arith.constant 2500 : i32
      %lt3A_104 = arith.cmpi slt, %add3A_102, %lt3A_103 : i32
      %convert_element_type3A_105 = arith.extui %lt3A_104 : i1 to i32
      %cond3A_106 = arith.constant 0 : i32
      %cond3A_107 = arith.cmpi ne, %convert_element_type3A_105, %cond3A_106 : i32
      scf.if %cond3A_107 {
        %mul3A_284 = arith.constant 1 : i32
        %mul3A_285 = arith.muli %add3A_102, %mul3A_284 : i32
        %dma_start3A = arith.constant 3 : i32
        %dma_start3A_286 = arith.constant 0 : i32
        %dma_start3A_287 = arith.constant 0 : i32
        %dma_start3A_288 = tpu.memref_slice %arg7[%dma_start3A, %dma_start3A_286, %dma_start3A_287] : memref<6x1x128xi32, #tpu.memory_space<vmem>> -> memref<1x1x128xi32, #tpu.memory_space<vmem>>
        %dma_start3A_289 = tpu.memref_squeeze %dma_start3A_288 : memref<1x1x128xi32, #tpu.memory_space<vmem>> -> memref<1x128xi32, #tpu.memory_space<vmem>>
        %dma_start3A_290 = arith.constant 0 : i32
        %dma_start3A_291 = tpu.memref_slice %arg3[%mul3A_285, %dma_start3A_290] : memref<2500x128xi32, #tpu.memory_space<hbm>> -> memref<1x128xi32, #tpu.memory_space<hbm>>
        %dma_start3A_292 = arith.constant 0 : i32
        %dma_start3A_293 = arith.constant 0 : i32
        %dma_start3A_294 = tpu.memref_slice %arg7[%dma_start3A, %dma_start3A_292, %dma_start3A_293] : memref<6x1x128xi32, #tpu.memory_space<vmem>> -> memref<1x1x128xi32, #tpu.memory_space<vmem>>
        %dma_start3A_295 = tpu.memref_squeeze %dma_start3A_294 : memref<1x1x128xi32, #tpu.memory_space<vmem>> -> memref<1x128xi32, #tpu.memory_space<vmem>>
        %dma_start3A_296 = arith.constant 0 : i32
        %dma_start3A_297 = tpu.memref_slice %arg3[%mul3A_285, %dma_start3A_296] : memref<2500x128xi32, #tpu.memory_space<hbm>> -> memref<1x128xi32, #tpu.memory_space<hbm>>
        tpu.enqueue_dma source(%dma_start3A_297 : memref<1x128xi32, #tpu.memory_space<hbm>>) target(%dma_start3A_295 : memref<1x128xi32, #tpu.memory_space<vmem>>) target_semaphore(%arg20 : memref<!tpu.dma_semaphore, #tpu.memory_space<semaphore_mem>>)
        %mul3A_298 = arith.constant 128 : i32
        %mul3A_299 = arith.muli %add3A_102, %mul3A_298 : i32
        %dma_start3A_300 = arith.constant 3 : i32
        %dma_start3A_301 = arith.constant 0 : i32
        %dma_start3A_302 = arith.constant 0 : i32
        %dma_start3A_303 = tpu.memref_slice %arg6[%dma_start3A_300, %dma_start3A_301, %dma_start3A_302] : memref<6x128x128xf32, #tpu.memory_space<vmem>> -> memref<1x128x128xf32, #tpu.memory_space<vmem>>
        %dma_start3A_304 = tpu.memref_squeeze %dma_start3A_303 : memref<1x128x128xf32, #tpu.memory_space<vmem>> -> memref<128x128xf32, #tpu.memory_space<vmem>>
        %dma_start3A_305 = arith.constant 0 : i32
        %dma_start3A_306 = tpu.memref_slice %arg2[%mul3A_299, %dma_start3A_305] : memref<320000x128xf32, #tpu.memory_space<hbm>> -> memref<128x128xf32, #tpu.memory_space<hbm>>
        %dma_start3A_307 = arith.constant 0 : i32
        %dma_start3A_308 = arith.constant 0 : i32
        %dma_start3A_309 = tpu.memref_slice %arg6[%dma_start3A_300, %dma_start3A_307, %dma_start3A_308] : memref<6x128x128xf32, #tpu.memory_space<vmem>> -> memref<1x128x128xf32, #tpu.memory_space<vmem>>
        %dma_start3A_310 = tpu.memref_squeeze %dma_start3A_309 : memref<1x128x128xf32, #tpu.memory_space<vmem>> -> memref<128x128xf32, #tpu.memory_space<vmem>>
        %dma_start3A_311 = arith.constant 0 : i32
        %dma_start3A_312 = tpu.memref_slice %arg2[%mul3A_299, %dma_start3A_311] : memref<320000x128xf32, #tpu.memory_space<hbm>> -> memref<128x128xf32, #tpu.memory_space<hbm>>
        tpu.enqueue_dma source(%dma_start3A_312 : memref<128x128xf32, #tpu.memory_space<hbm>>) target(%dma_start3A_310 : memref<128x128xf32, #tpu.memory_space<vmem>>) target_semaphore(%arg14 : memref<!tpu.dma_semaphore, #tpu.memory_space<semaphore_mem>>)
      } else {
      }
      %mul3A_108 = arith.constant 6 : i32
      %mul3A_109 = arith.muli %mul3A_108, %scan3A_72 : i32
      %add3A_110 = arith.constant 1 : i32
      %add3A_111 = arith.addi %mul3A_109, %add3A_110 : i32
      %mul3A_112 = arith.constant 32 : i32
      %mul3A_113 = arith.muli %add3A_111, %mul3A_112 : i32
      %add3A_114 = arith.addi %mul3A_113, %add3A : i32
      %lt3A_115 = arith.constant 2500 : i32
      %lt3A_116 = arith.cmpi slt, %add3A_114, %lt3A_115 : i32
      %convert_element_type3A_117 = arith.extui %lt3A_116 : i1 to i32
      %cond3A_118 = arith.constant 0 : i32
      %cond3A_119 = arith.cmpi ne, %convert_element_type3A_117, %cond3A_118 : i32
      scf.if %cond3A_119 {
        %mul3A_284 = arith.constant 1 : i32
        %mul3A_285 = arith.muli %add3A_114, %mul3A_284 : i32
        %dma_wait3A = arith.constant 1 : i32
        %dma_wait3A_286 = arith.constant 0 : i32
        %dma_wait3A_287 = arith.constant 0 : i32
        %dma_wait3A_288 = tpu.memref_slice %arg7[%dma_wait3A, %dma_wait3A_286, %dma_wait3A_287] : memref<6x1x128xi32, #tpu.memory_space<vmem>> -> memref<1x1x128xi32, #tpu.memory_space<vmem>>
        %dma_wait3A_289 = tpu.memref_squeeze %dma_wait3A_288 : memref<1x1x128xi32, #tpu.memory_space<vmem>> -> memref<1x128xi32, #tpu.memory_space<vmem>>
        %dma_wait3A_290 = arith.constant 0 : i32
        %dma_wait3A_291 = tpu.memref_slice %arg3[%mul3A_285, %dma_wait3A_290] : memref<2500x128xi32, #tpu.memory_space<hbm>> -> memref<1x128xi32, #tpu.memory_space<hbm>>
        %dma_wait3A_292 = arith.constant 0 : i32
        %dma_wait3A_293 = arith.constant 0 : i32
        %dma_wait3A_294 = tpu.memref_slice %arg7[%dma_wait3A, %dma_wait3A_292, %dma_wait3A_293] : memref<6x1x128xi32, #tpu.memory_space<vmem>> -> memref<1x1x128xi32, #tpu.memory_space<vmem>>
        %dma_wait3A_295 = tpu.memref_squeeze %dma_wait3A_294 : memref<1x1x128xi32, #tpu.memory_space<vmem>> -> memref<1x128xi32, #tpu.memory_space<vmem>>
        %dma_wait3A_296 = arith.constant 0 : i32
        %dma_wait3A_297 = tpu.memref_slice %arg3[%mul3A_285, %dma_wait3A_296] : memref<2500x128xi32, #tpu.memory_space<hbm>> -> memref<1x128xi32, #tpu.memory_space<hbm>>
        tpu.wait_dma2 semaphore(%arg18 : memref<!tpu.dma_semaphore, #tpu.memory_space<semaphore_mem>>) src(%dma_wait3A_297 : memref<1x128xi32, #tpu.memory_space<hbm>>) dst(%dma_wait3A_295 : memref<1x128xi32, #tpu.memory_space<vmem>>)
        %mul3A_298 = arith.constant 128 : i32
        %mul3A_299 = arith.muli %add3A_114, %mul3A_298 : i32
        %dma_wait3A_300 = arith.constant 1 : i32
        %dma_wait3A_301 = arith.constant 0 : i32
        %dma_wait3A_302 = arith.constant 0 : i32
        %dma_wait3A_303 = tpu.memref_slice %arg6[%dma_wait3A_300, %dma_wait3A_301, %dma_wait3A_302] : memref<6x128x128xf32, #tpu.memory_space<vmem>> -> memref<1x128x128xf32, #tpu.memory_space<vmem>>
        %dma_wait3A_304 = tpu.memref_squeeze %dma_wait3A_303 : memref<1x128x128xf32, #tpu.memory_space<vmem>> -> memref<128x128xf32, #tpu.memory_space<vmem>>
        %dma_wait3A_305 = arith.constant 0 : i32
        %dma_wait3A_306 = tpu.memref_slice %arg2[%mul3A_299, %dma_wait3A_305] : memref<320000x128xf32, #tpu.memory_space<hbm>> -> memref<128x128xf32, #tpu.memory_space<hbm>>
        %dma_wait3A_307 = arith.constant 0 : i32
        %dma_wait3A_308 = arith.constant 0 : i32
        %dma_wait3A_309 = tpu.memref_slice %arg6[%dma_wait3A_300, %dma_wait3A_307, %dma_wait3A_308] : memref<6x128x128xf32, #tpu.memory_space<vmem>> -> memref<1x128x128xf32, #tpu.memory_space<vmem>>
        %dma_wait3A_310 = tpu.memref_squeeze %dma_wait3A_309 : memref<1x128x128xf32, #tpu.memory_space<vmem>> -> memref<128x128xf32, #tpu.memory_space<vmem>>
        %dma_wait3A_311 = arith.constant 0 : i32
        %dma_wait3A_312 = tpu.memref_slice %arg2[%mul3A_299, %dma_wait3A_311] : memref<320000x128xf32, #tpu.memory_space<hbm>> -> memref<128x128xf32, #tpu.memory_space<hbm>>
        tpu.wait_dma2 semaphore(%arg12 : memref<!tpu.dma_semaphore, #tpu.memory_space<semaphore_mem>>) src(%dma_wait3A_312 : memref<128x128xf32, #tpu.memory_space<hbm>>) dst(%dma_wait3A_310 : memref<128x128xf32, #tpu.memory_space<vmem>>)
        %dma_start3A = arith.constant 1 : i32
        %dma_start3A_313 = arith.constant 1 : i32
        %dma_start3A_314 = arith.constant 0 : i32
        %dma_start3A_315 = arith.constant 0 : i32
        %dma_start3A_316 = arith.constant 0 : i32
        %dma_start3A_317 = tpu.memref_slice %arg6[%dma_start3A, %dma_start3A_315, %dma_start3A_316] : memref<6x128x128xf32, #tpu.memory_space<vmem>> -> memref<1x128x128xf32, #tpu.memory_space<vmem>>
        %dma_start3A_318 = tpu.memref_squeeze %dma_start3A_317 : memref<1x128x128xf32, #tpu.memory_space<vmem>> -> memref<128x128xf32, #tpu.memory_space<vmem>>
        %dma_start3A_319 = arith.constant 0 : i32
        %dma_start3A_320 = tpu.memref_slice %arg7[%dma_start3A_313, %dma_start3A_314, %dma_start3A_319] : memref<6x1x128xi32, #tpu.memory_space<vmem>> -> memref<1x1x128xi32, #tpu.memory_space<vmem>>
        %dma_start3A_321 = tpu.memref_squeeze %dma_start3A_320 : memref<1x1x128xi32, #tpu.memory_space<vmem>> -> memref<128xi32, #tpu.memory_space<vmem>>
        %dma_start3A_322 = arith.constant 0 : i32
        %dma_start3A_323 = arith.constant 0 : i32
        %dma_start3A_324 = tpu.memref_slice %arg10[%dma_start3A_322, %dma_start3A_323] : memref<1024x128xf32, #tpu.memory_space<vmem_shared>> -> memref<1024x128xf32, #tpu.memory_space<vmem_shared>>
        tpu.enqueue_indirect_dma source(%dma_start3A_318 : memref<128x128xf32, #tpu.memory_space<vmem>>) target(%dma_start3A_324 : memref<1024x128xf32, #tpu.memory_space<vmem_shared>>) offsets(%dma_start3A_321 : memref<128xi32, #tpu.memory_space<vmem>>) semaphore(%arg24 : memref<!tpu.dma_semaphore, #tpu.memory_space<semaphore_mem>>) {add = true}
        %get3A = arith.constant 1 : i32
        %get3A_325 = arith.constant 0 : i32
        %get3A_326 = arith.index_cast %get3A : i32 to index
        %get3A_327 = arith.index_cast %get3A_325 : i32 to index
        %get3A_328 = arith.constant 0 : index
        %get3A_329 = tpu.vector_load %arg7[%get3A_326, %get3A_327, %get3A_328] {strides = array<i32>} : memref<6x1x128xi32, #tpu.memory_space<vmem>>, vector<16xi32>,
        %broadcast_in_dim3A = arith.constant 1.000000e+00 : f32
        %broadcast_in_dim3A_330 = vector.broadcast %broadcast_in_dim3A : f32 to vector<16xf32>
        tpu.vector_store_idx %arg9[%get3A_329], %broadcast_in_dim3A_330 {add = true} : memref<1024xf32, #tpu.memory_space<vmem>>[vector<16xi32>], vector<16xf32>,
        %get3A_331 = arith.constant 1 : i32
        %get3A_332 = arith.constant 0 : i32
        %get3A_333 = arith.index_cast %get3A_331 : i32 to index
        %get3A_334 = arith.index_cast %get3A_332 : i32 to index
        %get3A_335 = arith.constant 16 : index
        %get3A_336 = tpu.vector_load %arg7[%get3A_333, %get3A_334, %get3A_335] {strides = array<i32>} : memref<6x1x128xi32, #tpu.memory_space<vmem>>, vector<16xi32>,
        %broadcast_in_dim3A_337 = arith.constant 1.000000e+00 : f32
        %broadcast_in_dim3A_338 = vector.broadcast %broadcast_in_dim3A_337 : f32 to vector<16xf32>
        tpu.vector_store_idx %arg9[%get3A_336], %broadcast_in_dim3A_338 {add = true} : memref<1024xf32, #tpu.memory_space<vmem>>[vector<16xi32>], vector<16xf32>,
        %get3A_339 = arith.constant 1 : i32
        %get3A_340 = arith.constant 0 : i32
        %get3A_341 = arith.index_cast %get3A_339 : i32 to index
        %get3A_342 = arith.index_cast %get3A_340 : i32 to index
        %get3A_343 = arith.constant 32 : index
        %get3A_344 = tpu.vector_load %arg7[%get3A_341, %get3A_342, %get3A_343] {strides = array<i32>} : memref<6x1x128xi32, #tpu.memory_space<vmem>>, vector<16xi32>,
        %broadcast_in_dim3A_345 = arith.constant 1.000000e+00 : f32
        %broadcast_in_dim3A_346 = vector.broadcast %broadcast_in_dim3A_345 : f32 to vector<16xf32>
        tpu.vector_store_idx %arg9[%get3A_344], %broadcast_in_dim3A_346 {add = true} : memref<1024xf32, #tpu.memory_space<vmem>>[vector<16xi32>], vector<16xf32>,
        %get3A_347 = arith.constant 1 : i32
        %get3A_348 = arith.constant 0 : i32
        %get3A_349 = arith.index_cast %get3A_347 : i32 to index
        %get3A_350 = arith.index_cast %get3A_348 : i32 to index
        %get3A_351 = arith.constant 48 : index
        %get3A_352 = tpu.vector_load %arg7[%get3A_349, %get3A_350, %get3A_351] {strides = array<i32>} : memref<6x1x128xi32, #tpu.memory_space<vmem>>, vector<16xi32>,
        %broadcast_in_dim3A_353 = arith.constant 1.000000e+00 : f32
        %broadcast_in_dim3A_354 = vector.broadcast %broadcast_in_dim3A_353 : f32 to vector<16xf32>
        tpu.vector_store_idx %arg9[%get3A_352], %broadcast_in_dim3A_354 {add = true} : memref<1024xf32, #tpu.memory_space<vmem>>[vector<16xi32>], vector<16xf32>,
        %get3A_355 = arith.constant 1 : i32
        %get3A_356 = arith.constant 0 : i32
        %get3A_357 = arith.index_cast %get3A_355 : i32 to index
        %get3A_358 = arith.index_cast %get3A_356 : i32 to index
        %get3A_359 = arith.constant 64 : index
        %get3A_360 = tpu.vector_load %arg7[%get3A_357, %get3A_358, %get3A_359] {strides = array<i32>} : memref<6x1x128xi32, #tpu.memory_space<vmem>>, vector<16xi32>,
        %broadcast_in_dim3A_361 = arith.constant 1.000000e+00 : f32
        %broadcast_in_dim3A_362 = vector.broadcast %broadcast_in_dim3A_361 : f32 to vector<16xf32>
        tpu.vector_store_idx %arg9[%get3A_360], %broadcast_in_dim3A_362 {add = true} : memref<1024xf32, #tpu.memory_space<vmem>>[vector<16xi32>], vector<16xf32>,
        %get3A_363 = arith.constant 1 : i32
        %get3A_364 = arith.constant 0 : i32
        %get3A_365 = arith.index_cast %get3A_363 : i32 to index
        %get3A_366 = arith.index_cast %get3A_364 : i32 to index
        %get3A_367 = arith.constant 80 : index
        %get3A_368 = tpu.vector_load %arg7[%get3A_365, %get3A_366, %get3A_367] {strides = array<i32>} : memref<6x1x128xi32, #tpu.memory_space<vmem>>, vector<16xi32>,
        %broadcast_in_dim3A_369 = arith.constant 1.000000e+00 : f32
        %broadcast_in_dim3A_370 = vector.broadcast %broadcast_in_dim3A_369 : f32 to vector<16xf32>
        tpu.vector_store_idx %arg9[%get3A_368], %broadcast_in_dim3A_370 {add = true} : memref<1024xf32, #tpu.memory_space<vmem>>[vector<16xi32>], vector<16xf32>,
        %get3A_371 = arith.constant 1 : i32
        %get3A_372 = arith.constant 0 : i32
        %get3A_373 = arith.index_cast %get3A_371 : i32 to index
        %get3A_374 = arith.index_cast %get3A_372 : i32 to index
        %get3A_375 = arith.constant 96 : index
        %get3A_376 = tpu.vector_load %arg7[%get3A_373, %get3A_374, %get3A_375] {strides = array<i32>} : memref<6x1x128xi32, #tpu.memory_space<vmem>>, vector<16xi32>,
        %broadcast_in_dim3A_377 = arith.constant 1.000000e+00 : f32
        %broadcast_in_dim3A_378 = vector.broadcast %broadcast_in_dim3A_377 : f32 to vector<16xf32>
        tpu.vector_store_idx %arg9[%get3A_376], %broadcast_in_dim3A_378 {add = true} : memref<1024xf32, #tpu.memory_space<vmem>>[vector<16xi32>], vector<16xf32>,
        %get3A_379 = arith.constant 1 : i32
        %get3A_380 = arith.constant 0 : i32
        %get3A_381 = arith.index_cast %get3A_379 : i32 to index
        %get3A_382 = arith.index_cast %get3A_380 : i32 to index
        %get3A_383 = arith.constant 112 : index
        %get3A_384 = tpu.vector_load %arg7[%get3A_381, %get3A_382, %get3A_383] {strides = array<i32>} : memref<6x1x128xi32, #tpu.memory_space<vmem>>, vector<16xi32>,
        %broadcast_in_dim3A_385 = arith.constant 1.000000e+00 : f32
        %broadcast_in_dim3A_386 = vector.broadcast %broadcast_in_dim3A_385 : f32 to vector<16xf32>
        tpu.vector_store_idx %arg9[%get3A_384], %broadcast_in_dim3A_386 {add = true} : memref<1024xf32, #tpu.memory_space<vmem>>[vector<16xi32>], vector<16xf32>,
      } else {
      }
      %sub3A_120 = arith.constant 3 : i32
      %sub3A_121 = arith.subi %add3A_111, %sub3A_120 : i32
      %mul3A_122 = arith.constant 32 : i32
      %mul3A_123 = arith.muli %sub3A_121, %mul3A_122 : i32
      %add3A_124 = arith.addi %mul3A_123, %add3A : i32
      %ge3A_125 = arith.constant 0 : i32
      %ge3A_126 = arith.cmpi sge, %add3A_124, %ge3A_125 : i32
      %lt3A_127 = arith.constant 2500 : i32
      %lt3A_128 = arith.cmpi slt, %add3A_124, %lt3A_127 : i32
      %and3A_129 = arith.andi %ge3A_126, %lt3A_128 : i1
      %convert_element_type3A_130 = arith.extui %and3A_129 : i1 to i32
      %cond3A_131 = arith.constant 0 : i32
      %cond3A_132 = arith.cmpi ne, %convert_element_type3A_130, %cond3A_131 : i32
      scf.if %cond3A_132 {
        %dma_wait3A = arith.constant 4 : i32
        %dma_wait3A_284 = arith.constant 4 : i32
        %dma_wait3A_285 = arith.constant 0 : i32
        %dma_wait3A_286 = arith.constant 0 : i32
        %dma_wait3A_287 = arith.constant 0 : i32
        %dma_wait3A_288 = tpu.memref_slice %arg6[%dma_wait3A, %dma_wait3A_286, %dma_wait3A_287] : memref<6x128x128xf32, #tpu.memory_space<vmem>> -> memref<1x128x128xf32, #tpu.memory_space<vmem>>
        %dma_wait3A_289 = tpu.memref_squeeze %dma_wait3A_288 : memref<1x128x128xf32, #tpu.memory_space<vmem>> -> memref<128x128xf32, #tpu.memory_space<vmem>>
        %dma_wait3A_290 = arith.constant 0 : i32
        %dma_wait3A_291 = tpu.memref_slice %arg7[%dma_wait3A_284, %dma_wait3A_285, %dma_wait3A_290] : memref<6x1x128xi32, #tpu.memory_space<vmem>> -> memref<1x1x128xi32, #tpu.memory_space<vmem>>
        %dma_wait3A_292 = tpu.memref_squeeze %dma_wait3A_291 : memref<1x1x128xi32, #tpu.memory_space<vmem>> -> memref<128xi32, #tpu.memory_space<vmem>>
        %dma_wait3A_293 = arith.constant 0 : i32
        %dma_wait3A_294 = arith.constant 0 : i32
        %dma_wait3A_295 = tpu.memref_slice %arg10[%dma_wait3A_293, %dma_wait3A_294] : memref<1024x128xf32, #tpu.memory_space<vmem_shared>> -> memref<1024x128xf32, #tpu.memory_space<vmem_shared>>
        tpu.wait_indirect_dma semaphore(%arg27 : memref<!tpu.dma_semaphore, #tpu.memory_space<semaphore_mem>>) src(%dma_wait3A_289 : memref<128x128xf32, #tpu.memory_space<vmem>>) dst(%dma_wait3A_295 : memref<1024x128xf32, #tpu.memory_space<vmem_shared>>)
      } else {
      }
      %add3A_133 = arith.constant 3 : i32
      %add3A_134 = arith.addi %add3A_111, %add3A_133 : i32
      %mul3A_135 = arith.constant 32 : i32
      %mul3A_136 = arith.muli %add3A_134, %mul3A_135 : i32
      %add3A_137 = arith.addi %mul3A_136, %add3A : i32
      %lt3A_138 = arith.constant 2500 : i32
      %lt3A_139 = arith.cmpi slt, %add3A_137, %lt3A_138 : i32
      %convert_element_type3A_140 = arith.extui %lt3A_139 : i1 to i32
      %cond3A_141 = arith.constant 0 : i32
      %cond3A_142 = arith.cmpi ne, %convert_element_type3A_140, %cond3A_141 : i32
      scf.if %cond3A_142 {
        %mul3A_284 = arith.constant 1 : i32
        %mul3A_285 = arith.muli %add3A_137, %mul3A_284 : i32
        %dma_start3A = arith.constant 4 : i32
        %dma_start3A_286 = arith.constant 0 : i32
        %dma_start3A_287 = arith.constant 0 : i32
        %dma_start3A_288 = tpu.memref_slice %arg7[%dma_start3A, %dma_start3A_286, %dma_start3A_287] : memref<6x1x128xi32, #tpu.memory_space<vmem>> -> memref<1x1x128xi32, #tpu.memory_space<vmem>>
        %dma_start3A_289 = tpu.memref_squeeze %dma_start3A_288 : memref<1x1x128xi32, #tpu.memory_space<vmem>> -> memref<1x128xi32, #tpu.memory_space<vmem>>
        %dma_start3A_290 = arith.constant 0 : i32
        %dma_start3A_291 = tpu.memref_slice %arg3[%mul3A_285, %dma_start3A_290] : memref<2500x128xi32, #tpu.memory_space<hbm>> -> memref<1x128xi32, #tpu.memory_space<hbm>>
        %dma_start3A_292 = arith.constant 0 : i32
        %dma_start3A_293 = arith.constant 0 : i32
        %dma_start3A_294 = tpu.memref_slice %arg7[%dma_start3A, %dma_start3A_292, %dma_start3A_293] : memref<6x1x128xi32, #tpu.memory_space<vmem>> -> memref<1x1x128xi32, #tpu.memory_space<vmem>>
        %dma_start3A_295 = tpu.memref_squeeze %dma_start3A_294 : memref<1x1x128xi32, #tpu.memory_space<vmem>> -> memref<1x128xi32, #tpu.memory_space<vmem>>
        %dma_start3A_296 = arith.constant 0 : i32
        %dma_start3A_297 = tpu.memref_slice %arg3[%mul3A_285, %dma_start3A_296] : memref<2500x128xi32, #tpu.memory_space<hbm>> -> memref<1x128xi32, #tpu.memory_space<hbm>>
        tpu.enqueue_dma source(%dma_start3A_297 : memref<1x128xi32, #tpu.memory_space<hbm>>) target(%dma_start3A_295 : memref<1x128xi32, #tpu.memory_space<vmem>>) target_semaphore(%arg21 : memref<!tpu.dma_semaphore, #tpu.memory_space<semaphore_mem>>)
        %mul3A_298 = arith.constant 128 : i32
        %mul3A_299 = arith.muli %add3A_137, %mul3A_298 : i32
        %dma_start3A_300 = arith.constant 4 : i32
        %dma_start3A_301 = arith.constant 0 : i32
        %dma_start3A_302 = arith.constant 0 : i32
        %dma_start3A_303 = tpu.memref_slice %arg6[%dma_start3A_300, %dma_start3A_301, %dma_start3A_302] : memref<6x128x128xf32, #tpu.memory_space<vmem>> -> memref<1x128x128xf32, #tpu.memory_space<vmem>>
        %dma_start3A_304 = tpu.memref_squeeze %dma_start3A_303 : memref<1x128x128xf32, #tpu.memory_space<vmem>> -> memref<128x128xf32, #tpu.memory_space<vmem>>
        %dma_start3A_305 = arith.constant 0 : i32
        %dma_start3A_306 = tpu.memref_slice %arg2[%mul3A_299, %dma_start3A_305] : memref<320000x128xf32, #tpu.memory_space<hbm>> -> memref<128x128xf32, #tpu.memory_space<hbm>>
        %dma_start3A_307 = arith.constant 0 : i32
        %dma_start3A_308 = arith.constant 0 : i32
        %dma_start3A_309 = tpu.memref_slice %arg6[%dma_start3A_300, %dma_start3A_307, %dma_start3A_308] : memref<6x128x128xf32, #tpu.memory_space<vmem>> -> memref<1x128x128xf32, #tpu.memory_space<vmem>>
        %dma_start3A_310 = tpu.memref_squeeze %dma_start3A_309 : memref<1x128x128xf32, #tpu.memory_space<vmem>> -> memref<128x128xf32, #tpu.memory_space<vmem>>
        %dma_start3A_311 = arith.constant 0 : i32
        %dma_start3A_312 = tpu.memref_slice %arg2[%mul3A_299, %dma_start3A_311] : memref<320000x128xf32, #tpu.memory_space<hbm>> -> memref<128x128xf32, #tpu.memory_space<hbm>>
        tpu.enqueue_dma source(%dma_start3A_312 : memref<128x128xf32, #tpu.memory_space<hbm>>) target(%dma_start3A_310 : memref<128x128xf32, #tpu.memory_space<vmem>>) target_semaphore(%arg15 : memref<!tpu.dma_semaphore, #tpu.memory_space<semaphore_mem>>)
      } else {
      }
      %mul3A_143 = arith.constant 6 : i32
      %mul3A_144 = arith.muli %mul3A_143, %scan3A_72 : i32
      %add3A_145 = arith.constant 2 : i32
      %add3A_146 = arith.addi %mul3A_144, %add3A_145 : i32
      %mul3A_147 = arith.constant 32 : i32
      %mul3A_148 = arith.muli %add3A_146, %mul3A_147 : i32
      %add3A_149 = arith.addi %mul3A_148, %add3A : i32
      %lt3A_150 = arith.constant 2500 : i32
      %lt3A_151 = arith.cmpi slt, %add3A_149, %lt3A_150 : i32
      %convert_element_type3A_152 = arith.extui %lt3A_151 : i1 to i32
      %cond3A_153 = arith.constant 0 : i32
      %cond3A_154 = arith.cmpi ne, %convert_element_type3A_152, %cond3A_153 : i32
      scf.if %cond3A_154 {
        %mul3A_284 = arith.constant 1 : i32
        %mul3A_285 = arith.muli %add3A_149, %mul3A_284 : i32
        %dma_wait3A = arith.constant 2 : i32
        %dma_wait3A_286 = arith.constant 0 : i32
        %dma_wait3A_287 = arith.constant 0 : i32
        %dma_wait3A_288 = tpu.memref_slice %arg7[%dma_wait3A, %dma_wait3A_286, %dma_wait3A_287] : memref<6x1x128xi32, #tpu.memory_space<vmem>> -> memref<1x1x128xi32, #tpu.memory_space<vmem>>
        %dma_wait3A_289 = tpu.memref_squeeze %dma_wait3A_288 : memref<1x1x128xi32, #tpu.memory_space<vmem>> -> memref<1x128xi32, #tpu.memory_space<vmem>>
        %dma_wait3A_290 = arith.constant 0 : i32
        %dma_wait3A_291 = tpu.memref_slice %arg3[%mul3A_285, %dma_wait3A_290] : memref<2500x128xi32, #tpu.memory_space<hbm>> -> memref<1x128xi32, #tpu.memory_space<hbm>>
        %dma_wait3A_292 = arith.constant 0 : i32
        %dma_wait3A_293 = arith.constant 0 : i32
        %dma_wait3A_294 = tpu.memref_slice %arg7[%dma_wait3A, %dma_wait3A_292, %dma_wait3A_293] : memref<6x1x128xi32, #tpu.memory_space<vmem>> -> memref<1x1x128xi32, #tpu.memory_space<vmem>>
        %dma_wait3A_295 = tpu.memref_squeeze %dma_wait3A_294 : memref<1x1x128xi32, #tpu.memory_space<vmem>> -> memref<1x128xi32, #tpu.memory_space<vmem>>
        %dma_wait3A_296 = arith.constant 0 : i32
        %dma_wait3A_297 = tpu.memref_slice %arg3[%mul3A_285, %dma_wait3A_296] : memref<2500x128xi32, #tpu.memory_space<hbm>> -> memref<1x128xi32, #tpu.memory_space<hbm>>
        tpu.wait_dma2 semaphore(%arg19 : memref<!tpu.dma_semaphore, #tpu.memory_space<semaphore_mem>>) src(%dma_wait3A_297 : memref<1x128xi32, #tpu.memory_space<hbm>>) dst(%dma_wait3A_295 : memref<1x128xi32, #tpu.memory_space<vmem>>)
        %mul3A_298 = arith.constant 128 : i32
        %mul3A_299 = arith.muli %add3A_149, %mul3A_298 : i32
        %dma_wait3A_300 = arith.constant 2 : i32
        %dma_wait3A_301 = arith.constant 0 : i32
        %dma_wait3A_302 = arith.constant 0 : i32
        %dma_wait3A_303 = tpu.memref_slice %arg6[%dma_wait3A_300, %dma_wait3A_301, %dma_wait3A_302] : memref<6x128x128xf32, #tpu.memory_space<vmem>> -> memref<1x128x128xf32, #tpu.memory_space<vmem>>
        %dma_wait3A_304 = tpu.memref_squeeze %dma_wait3A_303 : memref<1x128x128xf32, #tpu.memory_space<vmem>> -> memref<128x128xf32, #tpu.memory_space<vmem>>
        %dma_wait3A_305 = arith.constant 0 : i32
        %dma_wait3A_306 = tpu.memref_slice %arg2[%mul3A_299, %dma_wait3A_305] : memref<320000x128xf32, #tpu.memory_space<hbm>> -> memref<128x128xf32, #tpu.memory_space<hbm>>
        %dma_wait3A_307 = arith.constant 0 : i32
        %dma_wait3A_308 = arith.constant 0 : i32
        %dma_wait3A_309 = tpu.memref_slice %arg6[%dma_wait3A_300, %dma_wait3A_307, %dma_wait3A_308] : memref<6x128x128xf32, #tpu.memory_space<vmem>> -> memref<1x128x128xf32, #tpu.memory_space<vmem>>
        %dma_wait3A_310 = tpu.memref_squeeze %dma_wait3A_309 : memref<1x128x128xf32, #tpu.memory_space<vmem>> -> memref<128x128xf32, #tpu.memory_space<vmem>>
        %dma_wait3A_311 = arith.constant 0 : i32
        %dma_wait3A_312 = tpu.memref_slice %arg2[%mul3A_299, %dma_wait3A_311] : memref<320000x128xf32, #tpu.memory_space<hbm>> -> memref<128x128xf32, #tpu.memory_space<hbm>>
        tpu.wait_dma2 semaphore(%arg13 : memref<!tpu.dma_semaphore, #tpu.memory_space<semaphore_mem>>) src(%dma_wait3A_312 : memref<128x128xf32, #tpu.memory_space<hbm>>) dst(%dma_wait3A_310 : memref<128x128xf32, #tpu.memory_space<vmem>>)
        %dma_start3A = arith.constant 2 : i32
        %dma_start3A_313 = arith.constant 2 : i32
        %dma_start3A_314 = arith.constant 0 : i32
        %dma_start3A_315 = arith.constant 0 : i32
        %dma_start3A_316 = arith.constant 0 : i32
        %dma_start3A_317 = tpu.memref_slice %arg6[%dma_start3A, %dma_start3A_315, %dma_start3A_316] : memref<6x128x128xf32, #tpu.memory_space<vmem>> -> memref<1x128x128xf32, #tpu.memory_space<vmem>>
        %dma_start3A_318 = tpu.memref_squeeze %dma_start3A_317 : memref<1x128x128xf32, #tpu.memory_space<vmem>> -> memref<128x128xf32, #tpu.memory_space<vmem>>
        %dma_start3A_319 = arith.constant 0 : i32
        %dma_start3A_320 = tpu.memref_slice %arg7[%dma_start3A_313, %dma_start3A_314, %dma_start3A_319] : memref<6x1x128xi32, #tpu.memory_space<vmem>> -> memref<1x1x128xi32, #tpu.memory_space<vmem>>
        %dma_start3A_321 = tpu.memref_squeeze %dma_start3A_320 : memref<1x1x128xi32, #tpu.memory_space<vmem>> -> memref<128xi32, #tpu.memory_space<vmem>>
        %dma_start3A_322 = arith.constant 0 : i32
        %dma_start3A_323 = arith.constant 0 : i32
        %dma_start3A_324 = tpu.memref_slice %arg10[%dma_start3A_322, %dma_start3A_323] : memref<1024x128xf32, #tpu.memory_space<vmem_shared>> -> memref<1024x128xf32, #tpu.memory_space<vmem_shared>>
        tpu.enqueue_indirect_dma source(%dma_start3A_318 : memref<128x128xf32, #tpu.memory_space<vmem>>) target(%dma_start3A_324 : memref<1024x128xf32, #tpu.memory_space<vmem_shared>>) offsets(%dma_start3A_321 : memref<128xi32, #tpu.memory_space<vmem>>) semaphore(%arg25 : memref<!tpu.dma_semaphore, #tpu.memory_space<semaphore_mem>>) {add = true}
        %get3A = arith.constant 2 : i32
        %get3A_325 = arith.constant 0 : i32
        %get3A_326 = arith.index_cast %get3A : i32 to index
        %get3A_327 = arith.index_cast %get3A_325 : i32 to index
        %get3A_328 = arith.constant 0 : index
        %get3A_329 = tpu.vector_load %arg7[%get3A_326, %get3A_327, %get3A_328] {strides = array<i32>} : memref<6x1x128xi32, #tpu.memory_space<vmem>>, vector<16xi32>,
        %broadcast_in_dim3A = arith.constant 1.000000e+00 : f32
        %broadcast_in_dim3A_330 = vector.broadcast %broadcast_in_dim3A : f32 to vector<16xf32>
        tpu.vector_store_idx %arg9[%get3A_329], %broadcast_in_dim3A_330 {add = true} : memref<1024xf32, #tpu.memory_space<vmem>>[vector<16xi32>], vector<16xf32>,
        %get3A_331 = arith.constant 2 : i32
        %get3A_332 = arith.constant 0 : i32
        %get3A_333 = arith.index_cast %get3A_331 : i32 to index
        %get3A_334 = arith.index_cast %get3A_332 : i32 to index
        %get3A_335 = arith.constant 16 : index
        %get3A_336 = tpu.vector_load %arg7[%get3A_333, %get3A_334, %get3A_335] {strides = array<i32>} : memref<6x1x128xi32, #tpu.memory_space<vmem>>, vector<16xi32>,
        %broadcast_in_dim3A_337 = arith.constant 1.000000e+00 : f32
        %broadcast_in_dim3A_338 = vector.broadcast %broadcast_in_dim3A_337 : f32 to vector<16xf32>
        tpu.vector_store_idx %arg9[%get3A_336], %broadcast_in_dim3A_338 {add = true} : memref<1024xf32, #tpu.memory_space<vmem>>[vector<16xi32>], vector<16xf32>,
        %get3A_339 = arith.constant 2 : i32
        %get3A_340 = arith.constant 0 : i32
        %get3A_341 = arith.index_cast %get3A_339 : i32 to index
        %get3A_342 = arith.index_cast %get3A_340 : i32 to index
        %get3A_343 = arith.constant 32 : index
        %get3A_344 = tpu.vector_load %arg7[%get3A_341, %get3A_342, %get3A_343] {strides = array<i32>} : memref<6x1x128xi32, #tpu.memory_space<vmem>>, vector<16xi32>,
        %broadcast_in_dim3A_345 = arith.constant 1.000000e+00 : f32
        %broadcast_in_dim3A_346 = vector.broadcast %broadcast_in_dim3A_345 : f32 to vector<16xf32>
        tpu.vector_store_idx %arg9[%get3A_344], %broadcast_in_dim3A_346 {add = true} : memref<1024xf32, #tpu.memory_space<vmem>>[vector<16xi32>], vector<16xf32>,
        %get3A_347 = arith.constant 2 : i32
        %get3A_348 = arith.constant 0 : i32
        %get3A_349 = arith.index_cast %get3A_347 : i32 to index
        %get3A_350 = arith.index_cast %get3A_348 : i32 to index
        %get3A_351 = arith.constant 48 : index
        %get3A_352 = tpu.vector_load %arg7[%get3A_349, %get3A_350, %get3A_351] {strides = array<i32>} : memref<6x1x128xi32, #tpu.memory_space<vmem>>, vector<16xi32>,
        %broadcast_in_dim3A_353 = arith.constant 1.000000e+00 : f32
        %broadcast_in_dim3A_354 = vector.broadcast %broadcast_in_dim3A_353 : f32 to vector<16xf32>
        tpu.vector_store_idx %arg9[%get3A_352], %broadcast_in_dim3A_354 {add = true} : memref<1024xf32, #tpu.memory_space<vmem>>[vector<16xi32>], vector<16xf32>,
        %get3A_355 = arith.constant 2 : i32
        %get3A_356 = arith.constant 0 : i32
        %get3A_357 = arith.index_cast %get3A_355 : i32 to index
        %get3A_358 = arith.index_cast %get3A_356 : i32 to index
        %get3A_359 = arith.constant 64 : index
        %get3A_360 = tpu.vector_load %arg7[%get3A_357, %get3A_358, %get3A_359] {strides = array<i32>} : memref<6x1x128xi32, #tpu.memory_space<vmem>>, vector<16xi32>,
        %broadcast_in_dim3A_361 = arith.constant 1.000000e+00 : f32
        %broadcast_in_dim3A_362 = vector.broadcast %broadcast_in_dim3A_361 : f32 to vector<16xf32>
        tpu.vector_store_idx %arg9[%get3A_360], %broadcast_in_dim3A_362 {add = true} : memref<1024xf32, #tpu.memory_space<vmem>>[vector<16xi32>], vector<16xf32>,
        %get3A_363 = arith.constant 2 : i32
        %get3A_364 = arith.constant 0 : i32
        %get3A_365 = arith.index_cast %get3A_363 : i32 to index
        %get3A_366 = arith.index_cast %get3A_364 : i32 to index
        %get3A_367 = arith.constant 80 : index
        %get3A_368 = tpu.vector_load %arg7[%get3A_365, %get3A_366, %get3A_367] {strides = array<i32>} : memref<6x1x128xi32, #tpu.memory_space<vmem>>, vector<16xi32>,
        %broadcast_in_dim3A_369 = arith.constant 1.000000e+00 : f32
        %broadcast_in_dim3A_370 = vector.broadcast %broadcast_in_dim3A_369 : f32 to vector<16xf32>
        tpu.vector_store_idx %arg9[%get3A_368], %broadcast_in_dim3A_370 {add = true} : memref<1024xf32, #tpu.memory_space<vmem>>[vector<16xi32>], vector<16xf32>,
        %get3A_371 = arith.constant 2 : i32
        %get3A_372 = arith.constant 0 : i32
        %get3A_373 = arith.index_cast %get3A_371 : i32 to index
        %get3A_374 = arith.index_cast %get3A_372 : i32 to index
        %get3A_375 = arith.constant 96 : index
        %get3A_376 = tpu.vector_load %arg7[%get3A_373, %get3A_374, %get3A_375] {strides = array<i32>} : memref<6x1x128xi32, #tpu.memory_space<vmem>>, vector<16xi32>,
        %broadcast_in_dim3A_377 = arith.constant 1.000000e+00 : f32
        %broadcast_in_dim3A_378 = vector.broadcast %broadcast_in_dim3A_377 : f32 to vector<16xf32>
        tpu.vector_store_idx %arg9[%get3A_376], %broadcast_in_dim3A_378 {add = true} : memref<1024xf32, #tpu.memory_space<vmem>>[vector<16xi32>], vector<16xf32>,
        %get3A_379 = arith.constant 2 : i32
        %get3A_380 = arith.constant 0 : i32
        %get3A_381 = arith.index_cast %get3A_379 : i32 to index
        %get3A_382 = arith.index_cast %get3A_380 : i32 to index
        %get3A_383 = arith.constant 112 : index
        %get3A_384 = tpu.vector_load %arg7[%get3A_381, %get3A_382, %get3A_383] {strides = array<i32>} : memref<6x1x128xi32, #tpu.memory_space<vmem>>, vector<16xi32>,
        %broadcast_in_dim3A_385 = arith.constant 1.000000e+00 : f32
        %broadcast_in_dim3A_386 = vector.broadcast %broadcast_in_dim3A_385 : f32 to vector<16xf32>
        tpu.vector_store_idx %arg9[%get3A_384], %broadcast_in_dim3A_386 {add = true} : memref<1024xf32, #tpu.memory_space<vmem>>[vector<16xi32>], vector<16xf32>,
      } else {
      }
      %sub3A_155 = arith.constant 3 : i32
      %sub3A_156 = arith.subi %add3A_146, %sub3A_155 : i32
      %mul3A_157 = arith.constant 32 : i32
      %mul3A_158 = arith.muli %sub3A_156, %mul3A_157 : i32
      %add3A_159 = arith.addi %mul3A_158, %add3A : i32
      %ge3A_160 = arith.constant 0 : i32
      %ge3A_161 = arith.cmpi sge, %add3A_159, %ge3A_160 : i32
      %lt3A_162 = arith.constant 2500 : i32
      %lt3A_163 = arith.cmpi slt, %add3A_159, %lt3A_162 : i32
      %and3A_164 = arith.andi %ge3A_161, %lt3A_163 : i1
      %convert_element_type3A_165 = arith.extui %and3A_164 : i1 to i32
      %cond3A_166 = arith.constant 0 : i32
      %cond3A_167 = arith.cmpi ne, %convert_element_type3A_165, %cond3A_166 : i32
      scf.if %cond3A_167 {
        %dma_wait3A = arith.constant 5 : i32
        %dma_wait3A_284 = arith.constant 5 : i32
        %dma_wait3A_285 = arith.constant 0 : i32
        %dma_wait3A_286 = arith.constant 0 : i32
        %dma_wait3A_287 = arith.constant 0 : i32
        %dma_wait3A_288 = tpu.memref_slice %arg6[%dma_wait3A, %dma_wait3A_286, %dma_wait3A_287] : memref<6x128x128xf32, #tpu.memory_space<vmem>> -> memref<1x128x128xf32, #tpu.memory_space<vmem>>
        %dma_wait3A_289 = tpu.memref_squeeze %dma_wait3A_288 : memref<1x128x128xf32, #tpu.memory_space<vmem>> -> memref<128x128xf32, #tpu.memory_space<vmem>>
        %dma_wait3A_290 = arith.constant 0 : i32
        %dma_wait3A_291 = tpu.memref_slice %arg7[%dma_wait3A_284, %dma_wait3A_285, %dma_wait3A_290] : memref<6x1x128xi32, #tpu.memory_space<vmem>> -> memref<1x1x128xi32, #tpu.memory_space<vmem>>
        %dma_wait3A_292 = tpu.memref_squeeze %dma_wait3A_291 : memref<1x1x128xi32, #tpu.memory_space<vmem>> -> memref<128xi32, #tpu.memory_space<vmem>>
        %dma_wait3A_293 = arith.constant 0 : i32
        %dma_wait3A_294 = arith.constant 0 : i32
        %dma_wait3A_295 = tpu.memref_slice %arg10[%dma_wait3A_293, %dma_wait3A_294] : memref<1024x128xf32, #tpu.memory_space<vmem_shared>> -> memref<1024x128xf32, #tpu.memory_space<vmem_shared>>
        tpu.wait_indirect_dma semaphore(%arg28 : memref<!tpu.dma_semaphore, #tpu.memory_space<semaphore_mem>>) src(%dma_wait3A_289 : memref<128x128xf32, #tpu.memory_space<vmem>>) dst(%dma_wait3A_295 : memref<1024x128xf32, #tpu.memory_space<vmem_shared>>)
      } else {
      }
      %add3A_168 = arith.constant 3 : i32
      %add3A_169 = arith.addi %add3A_146, %add3A_168 : i32
      %mul3A_170 = arith.constant 32 : i32
      %mul3A_171 = arith.muli %add3A_169, %mul3A_170 : i32
      %add3A_172 = arith.addi %mul3A_171, %add3A : i32
      %lt3A_173 = arith.constant 2500 : i32
      %lt3A_174 = arith.cmpi slt, %add3A_172, %lt3A_173 : i32
      %convert_element_type3A_175 = arith.extui %lt3A_174 : i1 to i32
      %cond3A_176 = arith.constant 0 : i32
      %cond3A_177 = arith.cmpi ne, %convert_element_type3A_175, %cond3A_176 : i32
      scf.if %cond3A_177 {
        %mul3A_284 = arith.constant 1 : i32
        %mul3A_285 = arith.muli %add3A_172, %mul3A_284 : i32
        %dma_start3A = arith.constant 5 : i32
        %dma_start3A_286 = arith.constant 0 : i32
        %dma_start3A_287 = arith.constant 0 : i32
        %dma_start3A_288 = tpu.memref_slice %arg7[%dma_start3A, %dma_start3A_286, %dma_start3A_287] : memref<6x1x128xi32, #tpu.memory_space<vmem>> -> memref<1x1x128xi32, #tpu.memory_space<vmem>>
        %dma_start3A_289 = tpu.memref_squeeze %dma_start3A_288 : memref<1x1x128xi32, #tpu.memory_space<vmem>> -> memref<1x128xi32, #tpu.memory_space<vmem>>
        %dma_start3A_290 = arith.constant 0 : i32
        %dma_start3A_291 = tpu.memref_slice %arg3[%mul3A_285, %dma_start3A_290] : memref<2500x128xi32, #tpu.memory_space<hbm>> -> memref<1x128xi32, #tpu.memory_space<hbm>>
        %dma_start3A_292 = arith.constant 0 : i32
        %dma_start3A_293 = arith.constant 0 : i32
        %dma_start3A_294 = tpu.memref_slice %arg7[%dma_start3A, %dma_start3A_292, %dma_start3A_293] : memref<6x1x128xi32, #tpu.memory_space<vmem>> -> memref<1x1x128xi32, #tpu.memory_space<vmem>>
        %dma_start3A_295 = tpu.memref_squeeze %dma_start3A_294 : memref<1x1x128xi32, #tpu.memory_space<vmem>> -> memref<1x128xi32, #tpu.memory_space<vmem>>
        %dma_start3A_296 = arith.constant 0 : i32
        %dma_start3A_297 = tpu.memref_slice %arg3[%mul3A_285, %dma_start3A_296] : memref<2500x128xi32, #tpu.memory_space<hbm>> -> memref<1x128xi32, #tpu.memory_space<hbm>>
        tpu.enqueue_dma source(%dma_start3A_297 : memref<1x128xi32, #tpu.memory_space<hbm>>) target(%dma_start3A_295 : memref<1x128xi32, #tpu.memory_space<vmem>>) target_semaphore(%arg22 : memref<!tpu.dma_semaphore, #tpu.memory_space<semaphore_mem>>)
        %mul3A_298 = arith.constant 128 : i32
        %mul3A_299 = arith.muli %add3A_172, %mul3A_298 : i32
        %dma_start3A_300 = arith.constant 5 : i32
        %dma_start3A_301 = arith.constant 0 : i32
        %dma_start3A_302 = arith.constant 0 : i32
        %dma_start3A_303 = tpu.memref_slice %arg6[%dma_start3A_300, %dma_start3A_301, %dma_start3A_302] : memref<6x128x128xf32, #tpu.memory_space<vmem>> -> memref<1x128x128xf32, #tpu.memory_space<vmem>>
        %dma_start3A_304 = tpu.memref_squeeze %dma_start3A_303 : memref<1x128x128xf32, #tpu.memory_space<vmem>> -> memref<128x128xf32, #tpu.memory_space<vmem>>
        %dma_start3A_305 = arith.constant 0 : i32
        %dma_start3A_306 = tpu.memref_slice %arg2[%mul3A_299, %dma_start3A_305] : memref<320000x128xf32, #tpu.memory_space<hbm>> -> memref<128x128xf32, #tpu.memory_space<hbm>>
        %dma_start3A_307 = arith.constant 0 : i32
        %dma_start3A_308 = arith.constant 0 : i32
        %dma_start3A_309 = tpu.memref_slice %arg6[%dma_start3A_300, %dma_start3A_307, %dma_start3A_308] : memref<6x128x128xf32, #tpu.memory_space<vmem>> -> memref<1x128x128xf32, #tpu.memory_space<vmem>>
        %dma_start3A_310 = tpu.memref_squeeze %dma_start3A_309 : memref<1x128x128xf32, #tpu.memory_space<vmem>> -> memref<128x128xf32, #tpu.memory_space<vmem>>
        %dma_start3A_311 = arith.constant 0 : i32
        %dma_start3A_312 = tpu.memref_slice %arg2[%mul3A_299, %dma_start3A_311] : memref<320000x128xf32, #tpu.memory_space<hbm>> -> memref<128x128xf32, #tpu.memory_space<hbm>>
        tpu.enqueue_dma source(%dma_start3A_312 : memref<128x128xf32, #tpu.memory_space<hbm>>) target(%dma_start3A_310 : memref<128x128xf32, #tpu.memory_space<vmem>>) target_semaphore(%arg16 : memref<!tpu.dma_semaphore, #tpu.memory_space<semaphore_mem>>)
      } else {
      }
      %mul3A_178 = arith.constant 6 : i32
      %mul3A_179 = arith.muli %mul3A_178, %scan3A_72 : i32
      %add3A_180 = arith.constant 3 : i32
      %add3A_181 = arith.addi %mul3A_179, %add3A_180 : i32
      %mul3A_182 = arith.constant 32 : i32
      %mul3A_183 = arith.muli %add3A_181, %mul3A_182 : i32
      %add3A_184 = arith.addi %mul3A_183, %add3A : i32
      %lt3A_185 = arith.constant 2500 : i32
      %lt3A_186 = arith.cmpi slt, %add3A_184, %lt3A_185 : i32
      %convert_element_type3A_187 = arith.extui %lt3A_186 : i1 to i32
      %cond3A_188 = arith.constant 0 : i32
      %cond3A_189 = arith.cmpi ne, %convert_element_type3A_187, %cond3A_188 : i32
      scf.if %cond3A_189 {
        %mul3A_284 = arith.constant 1 : i32
        %mul3A_285 = arith.muli %add3A_184, %mul3A_284 : i32
        %dma_wait3A = arith.constant 3 : i32
        %dma_wait3A_286 = arith.constant 0 : i32
        %dma_wait3A_287 = arith.constant 0 : i32
        %dma_wait3A_288 = tpu.memref_slice %arg7[%dma_wait3A, %dma_wait3A_286, %dma_wait3A_287] : memref<6x1x128xi32, #tpu.memory_space<vmem>> -> memref<1x1x128xi32, #tpu.memory_space<vmem>>
        %dma_wait3A_289 = tpu.memref_squeeze %dma_wait3A_288 : memref<1x1x128xi32, #tpu.memory_space<vmem>> -> memref<1x128xi32, #tpu.memory_space<vmem>>
        %dma_wait3A_290 = arith.constant 0 : i32
        %dma_wait3A_291 = tpu.memref_slice %arg3[%mul3A_285, %dma_wait3A_290] : memref<2500x128xi32, #tpu.memory_space<hbm>> -> memref<1x128xi32, #tpu.memory_space<hbm>>
        %dma_wait3A_292 = arith.constant 0 : i32
        %dma_wait3A_293 = arith.constant 0 : i32
        %dma_wait3A_294 = tpu.memref_slice %arg7[%dma_wait3A, %dma_wait3A_292, %dma_wait3A_293] : memref<6x1x128xi32, #tpu.memory_space<vmem>> -> memref<1x1x128xi32, #tpu.memory_space<vmem>>
        %dma_wait3A_295 = tpu.memref_squeeze %dma_wait3A_294 : memref<1x1x128xi32, #tpu.memory_space<vmem>> -> memref<1x128xi32, #tpu.memory_space<vmem>>
        %dma_wait3A_296 = arith.constant 0 : i32
        %dma_wait3A_297 = tpu.memref_slice %arg3[%mul3A_285, %dma_wait3A_296] : memref<2500x128xi32, #tpu.memory_space<hbm>> -> memref<1x128xi32, #tpu.memory_space<hbm>>
        tpu.wait_dma2 semaphore(%arg20 : memref<!tpu.dma_semaphore, #tpu.memory_space<semaphore_mem>>) src(%dma_wait3A_297 : memref<1x128xi32, #tpu.memory_space<hbm>>) dst(%dma_wait3A_295 : memref<1x128xi32, #tpu.memory_space<vmem>>)
        %mul3A_298 = arith.constant 128 : i32
        %mul3A_299 = arith.muli %add3A_184, %mul3A_298 : i32
        %dma_wait3A_300 = arith.constant 3 : i32
        %dma_wait3A_301 = arith.constant 0 : i32
        %dma_wait3A_302 = arith.constant 0 : i32
        %dma_wait3A_303 = tpu.memref_slice %arg6[%dma_wait3A_300, %dma_wait3A_301, %dma_wait3A_302] : memref<6x128x128xf32, #tpu.memory_space<vmem>> -> memref<1x128x128xf32, #tpu.memory_space<vmem>>
        %dma_wait3A_304 = tpu.memref_squeeze %dma_wait3A_303 : memref<1x128x128xf32, #tpu.memory_space<vmem>> -> memref<128x128xf32, #tpu.memory_space<vmem>>
        %dma_wait3A_305 = arith.constant 0 : i32
        %dma_wait3A_306 = tpu.memref_slice %arg2[%mul3A_299, %dma_wait3A_305] : memref<320000x128xf32, #tpu.memory_space<hbm>> -> memref<128x128xf32, #tpu.memory_space<hbm>>
        %dma_wait3A_307 = arith.constant 0 : i32
        %dma_wait3A_308 = arith.constant 0 : i32
        %dma_wait3A_309 = tpu.memref_slice %arg6[%dma_wait3A_300, %dma_wait3A_307, %dma_wait3A_308] : memref<6x128x128xf32, #tpu.memory_space<vmem>> -> memref<1x128x128xf32, #tpu.memory_space<vmem>>
        %dma_wait3A_310 = tpu.memref_squeeze %dma_wait3A_309 : memref<1x128x128xf32, #tpu.memory_space<vmem>> -> memref<128x128xf32, #tpu.memory_space<vmem>>
        %dma_wait3A_311 = arith.constant 0 : i32
        %dma_wait3A_312 = tpu.memref_slice %arg2[%mul3A_299, %dma_wait3A_311] : memref<320000x128xf32, #tpu.memory_space<hbm>> -> memref<128x128xf32, #tpu.memory_space<hbm>>
        tpu.wait_dma2 semaphore(%arg14 : memref<!tpu.dma_semaphore, #tpu.memory_space<semaphore_mem>>) src(%dma_wait3A_312 : memref<128x128xf32, #tpu.memory_space<hbm>>) dst(%dma_wait3A_310 : memref<128x128xf32, #tpu.memory_space<vmem>>)
        %dma_start3A = arith.constant 3 : i32
        %dma_start3A_313 = arith.constant 3 : i32
        %dma_start3A_314 = arith.constant 0 : i32
        %dma_start3A_315 = arith.constant 0 : i32
        %dma_start3A_316 = arith.constant 0 : i32
        %dma_start3A_317 = tpu.memref_slice %arg6[%dma_start3A, %dma_start3A_315, %dma_start3A_316] : memref<6x128x128xf32, #tpu.memory_space<vmem>> -> memref<1x128x128xf32, #tpu.memory_space<vmem>>
        %dma_start3A_318 = tpu.memref_squeeze %dma_start3A_317 : memref<1x128x128xf32, #tpu.memory_space<vmem>> -> memref<128x128xf32, #tpu.memory_space<vmem>>
        %dma_start3A_319 = arith.constant 0 : i32
        %dma_start3A_320 = tpu.memref_slice %arg7[%dma_start3A_313, %dma_start3A_314, %dma_start3A_319] : memref<6x1x128xi32, #tpu.memory_space<vmem>> -> memref<1x1x128xi32, #tpu.memory_space<vmem>>
        %dma_start3A_321 = tpu.memref_squeeze %dma_start3A_320 : memref<1x1x128xi32, #tpu.memory_space<vmem>> -> memref<128xi32, #tpu.memory_space<vmem>>
        %dma_start3A_322 = arith.constant 0 : i32
        %dma_start3A_323 = arith.constant 0 : i32
        %dma_start3A_324 = tpu.memref_slice %arg10[%dma_start3A_322, %dma_start3A_323] : memref<1024x128xf32, #tpu.memory_space<vmem_shared>> -> memref<1024x128xf32, #tpu.memory_space<vmem_shared>>
        tpu.enqueue_indirect_dma source(%dma_start3A_318 : memref<128x128xf32, #tpu.memory_space<vmem>>) target(%dma_start3A_324 : memref<1024x128xf32, #tpu.memory_space<vmem_shared>>) offsets(%dma_start3A_321 : memref<128xi32, #tpu.memory_space<vmem>>) semaphore(%arg26 : memref<!tpu.dma_semaphore, #tpu.memory_space<semaphore_mem>>) {add = true}
        %get3A = arith.constant 3 : i32
        %get3A_325 = arith.constant 0 : i32
        %get3A_326 = arith.index_cast %get3A : i32 to index
        %get3A_327 = arith.index_cast %get3A_325 : i32 to index
        %get3A_328 = arith.constant 0 : index
        %get3A_329 = tpu.vector_load %arg7[%get3A_326, %get3A_327, %get3A_328] {strides = array<i32>} : memref<6x1x128xi32, #tpu.memory_space<vmem>>, vector<16xi32>,
        %broadcast_in_dim3A = arith.constant 1.000000e+00 : f32
        %broadcast_in_dim3A_330 = vector.broadcast %broadcast_in_dim3A : f32 to vector<16xf32>
        tpu.vector_store_idx %arg9[%get3A_329], %broadcast_in_dim3A_330 {add = true} : memref<1024xf32, #tpu.memory_space<vmem>>[vector<16xi32>], vector<16xf32>,
        %get3A_331 = arith.constant 3 : i32
        %get3A_332 = arith.constant 0 : i32
        %get3A_333 = arith.index_cast %get3A_331 : i32 to index
        %get3A_334 = arith.index_cast %get3A_332 : i32 to index
        %get3A_335 = arith.constant 16 : index
        %get3A_336 = tpu.vector_load %arg7[%get3A_333, %get3A_334, %get3A_335] {strides = array<i32>} : memref<6x1x128xi32, #tpu.memory_space<vmem>>, vector<16xi32>,
        %broadcast_in_dim3A_337 = arith.constant 1.000000e+00 : f32
        %broadcast_in_dim3A_338 = vector.broadcast %broadcast_in_dim3A_337 : f32 to vector<16xf32>
        tpu.vector_store_idx %arg9[%get3A_336], %broadcast_in_dim3A_338 {add = true} : memref<1024xf32, #tpu.memory_space<vmem>>[vector<16xi32>], vector<16xf32>,
        %get3A_339 = arith.constant 3 : i32
        %get3A_340 = arith.constant 0 : i32
        %get3A_341 = arith.index_cast %get3A_339 : i32 to index
        %get3A_342 = arith.index_cast %get3A_340 : i32 to index
        %get3A_343 = arith.constant 32 : index
        %get3A_344 = tpu.vector_load %arg7[%get3A_341, %get3A_342, %get3A_343] {strides = array<i32>} : memref<6x1x128xi32, #tpu.memory_space<vmem>>, vector<16xi32>,
        %broadcast_in_dim3A_345 = arith.constant 1.000000e+00 : f32
        %broadcast_in_dim3A_346 = vector.broadcast %broadcast_in_dim3A_345 : f32 to vector<16xf32>
        tpu.vector_store_idx %arg9[%get3A_344], %broadcast_in_dim3A_346 {add = true} : memref<1024xf32, #tpu.memory_space<vmem>>[vector<16xi32>], vector<16xf32>,
        %get3A_347 = arith.constant 3 : i32
        %get3A_348 = arith.constant 0 : i32
        %get3A_349 = arith.index_cast %get3A_347 : i32 to index
        %get3A_350 = arith.index_cast %get3A_348 : i32 to index
        %get3A_351 = arith.constant 48 : index
        %get3A_352 = tpu.vector_load %arg7[%get3A_349, %get3A_350, %get3A_351] {strides = array<i32>} : memref<6x1x128xi32, #tpu.memory_space<vmem>>, vector<16xi32>,
        %broadcast_in_dim3A_353 = arith.constant 1.000000e+00 : f32
        %broadcast_in_dim3A_354 = vector.broadcast %broadcast_in_dim3A_353 : f32 to vector<16xf32>
        tpu.vector_store_idx %arg9[%get3A_352], %broadcast_in_dim3A_354 {add = true} : memref<1024xf32, #tpu.memory_space<vmem>>[vector<16xi32>], vector<16xf32>,
        %get3A_355 = arith.constant 3 : i32
        %get3A_356 = arith.constant 0 : i32
        %get3A_357 = arith.index_cast %get3A_355 : i32 to index
        %get3A_358 = arith.index_cast %get3A_356 : i32 to index
        %get3A_359 = arith.constant 64 : index
        %get3A_360 = tpu.vector_load %arg7[%get3A_357, %get3A_358, %get3A_359] {strides = array<i32>} : memref<6x1x128xi32, #tpu.memory_space<vmem>>, vector<16xi32>,
        %broadcast_in_dim3A_361 = arith.constant 1.000000e+00 : f32
        %broadcast_in_dim3A_362 = vector.broadcast %broadcast_in_dim3A_361 : f32 to vector<16xf32>
        tpu.vector_store_idx %arg9[%get3A_360], %broadcast_in_dim3A_362 {add = true} : memref<1024xf32, #tpu.memory_space<vmem>>[vector<16xi32>], vector<16xf32>,
        %get3A_363 = arith.constant 3 : i32
        %get3A_364 = arith.constant 0 : i32
        %get3A_365 = arith.index_cast %get3A_363 : i32 to index
        %get3A_366 = arith.index_cast %get3A_364 : i32 to index
        %get3A_367 = arith.constant 80 : index
        %get3A_368 = tpu.vector_load %arg7[%get3A_365, %get3A_366, %get3A_367] {strides = array<i32>} : memref<6x1x128xi32, #tpu.memory_space<vmem>>, vector<16xi32>,
        %broadcast_in_dim3A_369 = arith.constant 1.000000e+00 : f32
        %broadcast_in_dim3A_370 = vector.broadcast %broadcast_in_dim3A_369 : f32 to vector<16xf32>
        tpu.vector_store_idx %arg9[%get3A_368], %broadcast_in_dim3A_370 {add = true} : memref<1024xf32, #tpu.memory_space<vmem>>[vector<16xi32>], vector<16xf32>,
        %get3A_371 = arith.constant 3 : i32
        %get3A_372 = arith.constant 0 : i32
        %get3A_373 = arith.index_cast %get3A_371 : i32 to index
        %get3A_374 = arith.index_cast %get3A_372 : i32 to index
        %get3A_375 = arith.constant 96 : index
        %get3A_376 = tpu.vector_load %arg7[%get3A_373, %get3A_374, %get3A_375] {strides = array<i32>} : memref<6x1x128xi32, #tpu.memory_space<vmem>>, vector<16xi32>,
        %broadcast_in_dim3A_377 = arith.constant 1.000000e+00 : f32
        %broadcast_in_dim3A_378 = vector.broadcast %broadcast_in_dim3A_377 : f32 to vector<16xf32>
        tpu.vector_store_idx %arg9[%get3A_376], %broadcast_in_dim3A_378 {add = true} : memref<1024xf32, #tpu.memory_space<vmem>>[vector<16xi32>], vector<16xf32>,
        %get3A_379 = arith.constant 3 : i32
        %get3A_380 = arith.constant 0 : i32
        %get3A_381 = arith.index_cast %get3A_379 : i32 to index
        %get3A_382 = arith.index_cast %get3A_380 : i32 to index
        %get3A_383 = arith.constant 112 : index
        %get3A_384 = tpu.vector_load %arg7[%get3A_381, %get3A_382, %get3A_383] {strides = array<i32>} : memref<6x1x128xi32, #tpu.memory_space<vmem>>, vector<16xi32>,
        %broadcast_in_dim3A_385 = arith.constant 1.000000e+00 : f32
        %broadcast_in_dim3A_386 = vector.broadcast %broadcast_in_dim3A_385 : f32 to vector<16xf32>
        tpu.vector_store_idx %arg9[%get3A_384], %broadcast_in_dim3A_386 {add = true} : memref<1024xf32, #tpu.memory_space<vmem>>[vector<16xi32>], vector<16xf32>,
      } else {
      }
      %sub3A_190 = arith.constant 3 : i32
      %sub3A_191 = arith.subi %add3A_181, %sub3A_190 : i32
      %mul3A_192 = arith.constant 32 : i32
      %mul3A_193 = arith.muli %sub3A_191, %mul3A_192 : i32
      %add3A_194 = arith.addi %mul3A_193, %add3A : i32
      %ge3A_195 = arith.constant 0 : i32
      %ge3A_196 = arith.cmpi sge, %add3A_194, %ge3A_195 : i32
      %lt3A_197 = arith.constant 2500 : i32
      %lt3A_198 = arith.cmpi slt, %add3A_194, %lt3A_197 : i32
      %and3A_199 = arith.andi %ge3A_196, %lt3A_198 : i1
      %convert_element_type3A_200 = arith.extui %and3A_199 : i1 to i32
      %cond3A_201 = arith.constant 0 : i32
      %cond3A_202 = arith.cmpi ne, %convert_element_type3A_200, %cond3A_201 : i32
      scf.if %cond3A_202 {
        %dma_wait3A = arith.constant 0 : i32
        %dma_wait3A_284 = arith.constant 0 : i32
        %dma_wait3A_285 = arith.constant 0 : i32
        %dma_wait3A_286 = arith.constant 0 : i32
        %dma_wait3A_287 = arith.constant 0 : i32
        %dma_wait3A_288 = tpu.memref_slice %arg6[%dma_wait3A, %dma_wait3A_286, %dma_wait3A_287] : memref<6x128x128xf32, #tpu.memory_space<vmem>> -> memref<1x128x128xf32, #tpu.memory_space<vmem>>
        %dma_wait3A_289 = tpu.memref_squeeze %dma_wait3A_288 : memref<1x128x128xf32, #tpu.memory_space<vmem>> -> memref<128x128xf32, #tpu.memory_space<vmem>>
        %dma_wait3A_290 = arith.constant 0 : i32
        %dma_wait3A_291 = tpu.memref_slice %arg7[%dma_wait3A_284, %dma_wait3A_285, %dma_wait3A_290] : memref<6x1x128xi32, #tpu.memory_space<vmem>> -> memref<1x1x128xi32, #tpu.memory_space<vmem>>
        %dma_wait3A_292 = tpu.memref_squeeze %dma_wait3A_291 : memref<1x1x128xi32, #tpu.memory_space<vmem>> -> memref<128xi32, #tpu.memory_space<vmem>>
        %dma_wait3A_293 = arith.constant 0 : i32
        %dma_wait3A_294 = arith.constant 0 : i32
        %dma_wait3A_295 = tpu.memref_slice %arg10[%dma_wait3A_293, %dma_wait3A_294] : memref<1024x128xf32, #tpu.memory_space<vmem_shared>> -> memref<1024x128xf32, #tpu.memory_space<vmem_shared>>
        tpu.wait_indirect_dma semaphore(%arg23 : memref<!tpu.dma_semaphore, #tpu.memory_space<semaphore_mem>>) src(%dma_wait3A_289 : memref<128x128xf32, #tpu.memory_space<vmem>>) dst(%dma_wait3A_295 : memref<1024x128xf32, #tpu.memory_space<vmem_shared>>)
      } else {
      }
      %add3A_203 = arith.constant 3 : i32
      %add3A_204 = arith.addi %add3A_181, %add3A_203 : i32
      %mul3A_205 = arith.constant 32 : i32
      %mul3A_206 = arith.muli %add3A_204, %mul3A_205 : i32
      %add3A_207 = arith.addi %mul3A_206, %add3A : i32
      %lt3A_208 = arith.constant 2500 : i32
      %lt3A_209 = arith.cmpi slt, %add3A_207, %lt3A_208 : i32
      %convert_element_type3A_210 = arith.extui %lt3A_209 : i1 to i32
      %cond3A_211 = arith.constant 0 : i32
      %cond3A_212 = arith.cmpi ne, %convert_element_type3A_210, %cond3A_211 : i32
      scf.if %cond3A_212 {
        %mul3A_284 = arith.constant 1 : i32
        %mul3A_285 = arith.muli %add3A_207, %mul3A_284 : i32
        %dma_start3A = arith.constant 0 : i32
        %dma_start3A_286 = arith.constant 0 : i32
        %dma_start3A_287 = arith.constant 0 : i32
        %dma_start3A_288 = tpu.memref_slice %arg7[%dma_start3A, %dma_start3A_286, %dma_start3A_287] : memref<6x1x128xi32, #tpu.memory_space<vmem>> -> memref<1x1x128xi32, #tpu.memory_space<vmem>>
        %dma_start3A_289 = tpu.memref_squeeze %dma_start3A_288 : memref<1x1x128xi32, #tpu.memory_space<vmem>> -> memref<1x128xi32, #tpu.memory_space<vmem>>
        %dma_start3A_290 = arith.constant 0 : i32
        %dma_start3A_291 = tpu.memref_slice %arg3[%mul3A_285, %dma_start3A_290] : memref<2500x128xi32, #tpu.memory_space<hbm>> -> memref<1x128xi32, #tpu.memory_space<hbm>>
        %dma_start3A_292 = arith.constant 0 : i32
        %dma_start3A_293 = arith.constant 0 : i32
        %dma_start3A_294 = tpu.memref_slice %arg7[%dma_start3A, %dma_start3A_292, %dma_start3A_293] : memref<6x1x128xi32, #tpu.memory_space<vmem>> -> memref<1x1x128xi32, #tpu.memory_space<vmem>>
        %dma_start3A_295 = tpu.memref_squeeze %dma_start3A_294 : memref<1x1x128xi32, #tpu.memory_space<vmem>> -> memref<1x128xi32, #tpu.memory_space<vmem>>
        %dma_start3A_296 = arith.constant 0 : i32
        %dma_start3A_297 = tpu.memref_slice %arg3[%mul3A_285, %dma_start3A_296] : memref<2500x128xi32, #tpu.memory_space<hbm>> -> memref<1x128xi32, #tpu.memory_space<hbm>>
        tpu.enqueue_dma source(%dma_start3A_297 : memref<1x128xi32, #tpu.memory_space<hbm>>) target(%dma_start3A_295 : memref<1x128xi32, #tpu.memory_space<vmem>>) target_semaphore(%arg17 : memref<!tpu.dma_semaphore, #tpu.memory_space<semaphore_mem>>)
        %mul3A_298 = arith.constant 128 : i32
        %mul3A_299 = arith.muli %add3A_207, %mul3A_298 : i32
        %dma_start3A_300 = arith.constant 0 : i32
        %dma_start3A_301 = arith.constant 0 : i32
        %dma_start3A_302 = arith.constant 0 : i32
        %dma_start3A_303 = tpu.memref_slice %arg6[%dma_start3A_300, %dma_start3A_301, %dma_start3A_302] : memref<6x128x128xf32, #tpu.memory_space<vmem>> -> memref<1x128x128xf32, #tpu.memory_space<vmem>>
        %dma_start3A_304 = tpu.memref_squeeze %dma_start3A_303 : memref<1x128x128xf32, #tpu.memory_space<vmem>> -> memref<128x128xf32, #tpu.memory_space<vmem>>
        %dma_start3A_305 = arith.constant 0 : i32
        %dma_start3A_306 = tpu.memref_slice %arg2[%mul3A_299, %dma_start3A_305] : memref<320000x128xf32, #tpu.memory_space<hbm>> -> memref<128x128xf32, #tpu.memory_space<hbm>>
        %dma_start3A_307 = arith.constant 0 : i32
        %dma_start3A_308 = arith.constant 0 : i32
        %dma_start3A_309 = tpu.memref_slice %arg6[%dma_start3A_300, %dma_start3A_307, %dma_start3A_308] : memref<6x128x128xf32, #tpu.memory_space<vmem>> -> memref<1x128x128xf32, #tpu.memory_space<vmem>>
        %dma_start3A_310 = tpu.memref_squeeze %dma_start3A_309 : memref<1x128x128xf32, #tpu.memory_space<vmem>> -> memref<128x128xf32, #tpu.memory_space<vmem>>
        %dma_start3A_311 = arith.constant 0 : i32
        %dma_start3A_312 = tpu.memref_slice %arg2[%mul3A_299, %dma_start3A_311] : memref<320000x128xf32, #tpu.memory_space<hbm>> -> memref<128x128xf32, #tpu.memory_space<hbm>>
        tpu.enqueue_dma source(%dma_start3A_312 : memref<128x128xf32, #tpu.memory_space<hbm>>) target(%dma_start3A_310 : memref<128x128xf32, #tpu.memory_space<vmem>>) target_semaphore(%arg11 : memref<!tpu.dma_semaphore, #tpu.memory_space<semaphore_mem>>)
      } else {
      }
      %mul3A_213 = arith.constant 6 : i32
      %mul3A_214 = arith.muli %mul3A_213, %scan3A_72 : i32
      %add3A_215 = arith.constant 4 : i32
      %add3A_216 = arith.addi %mul3A_214, %add3A_215 : i32
      %mul3A_217 = arith.constant 32 : i32
      %mul3A_218 = arith.muli %add3A_216, %mul3A_217 : i32
      %add3A_219 = arith.addi %mul3A_218, %add3A : i32
      %lt3A_220 = arith.constant 2500 : i32
      %lt3A_221 = arith.cmpi slt, %add3A_219, %lt3A_220 : i32
      %convert_element_type3A_222 = arith.extui %lt3A_221 : i1 to i32
      %cond3A_223 = arith.constant 0 : i32
      %cond3A_224 = arith.cmpi ne, %convert_element_type3A_222, %cond3A_223 : i32
      scf.if %cond3A_224 {
        %mul3A_284 = arith.constant 1 : i32
        %mul3A_285 = arith.muli %add3A_219, %mul3A_284 : i32
        %dma_wait3A = arith.constant 4 : i32
        %dma_wait3A_286 = arith.constant 0 : i32
        %dma_wait3A_287 = arith.constant 0 : i32
        %dma_wait3A_288 = tpu.memref_slice %arg7[%dma_wait3A, %dma_wait3A_286, %dma_wait3A_287] : memref<6x1x128xi32, #tpu.memory_space<vmem>> -> memref<1x1x128xi32, #tpu.memory_space<vmem>>
        %dma_wait3A_289 = tpu.memref_squeeze %dma_wait3A_288 : memref<1x1x128xi32, #tpu.memory_space<vmem>> -> memref<1x128xi32, #tpu.memory_space<vmem>>
        %dma_wait3A_290 = arith.constant 0 : i32
        %dma_wait3A_291 = tpu.memref_slice %arg3[%mul3A_285, %dma_wait3A_290] : memref<2500x128xi32, #tpu.memory_space<hbm>> -> memref<1x128xi32, #tpu.memory_space<hbm>>
        %dma_wait3A_292 = arith.constant 0 : i32
        %dma_wait3A_293 = arith.constant 0 : i32
        %dma_wait3A_294 = tpu.memref_slice %arg7[%dma_wait3A, %dma_wait3A_292, %dma_wait3A_293] : memref<6x1x128xi32, #tpu.memory_space<vmem>> -> memref<1x1x128xi32, #tpu.memory_space<vmem>>
        %dma_wait3A_295 = tpu.memref_squeeze %dma_wait3A_294 : memref<1x1x128xi32, #tpu.memory_space<vmem>> -> memref<1x128xi32, #tpu.memory_space<vmem>>
        %dma_wait3A_296 = arith.constant 0 : i32
        %dma_wait3A_297 = tpu.memref_slice %arg3[%mul3A_285, %dma_wait3A_296] : memref<2500x128xi32, #tpu.memory_space<hbm>> -> memref<1x128xi32, #tpu.memory_space<hbm>>
        tpu.wait_dma2 semaphore(%arg21 : memref<!tpu.dma_semaphore, #tpu.memory_space<semaphore_mem>>) src(%dma_wait3A_297 : memref<1x128xi32, #tpu.memory_space<hbm>>) dst(%dma_wait3A_295 : memref<1x128xi32, #tpu.memory_space<vmem>>)
        %mul3A_298 = arith.constant 128 : i32
        %mul3A_299 = arith.muli %add3A_219, %mul3A_298 : i32
        %dma_wait3A_300 = arith.constant 4 : i32
        %dma_wait3A_301 = arith.constant 0 : i32
        %dma_wait3A_302 = arith.constant 0 : i32
        %dma_wait3A_303 = tpu.memref_slice %arg6[%dma_wait3A_300, %dma_wait3A_301, %dma_wait3A_302] : memref<6x128x128xf32, #tpu.memory_space<vmem>> -> memref<1x128x128xf32, #tpu.memory_space<vmem>>
        %dma_wait3A_304 = tpu.memref_squeeze %dma_wait3A_303 : memref<1x128x128xf32, #tpu.memory_space<vmem>> -> memref<128x128xf32, #tpu.memory_space<vmem>>
        %dma_wait3A_305 = arith.constant 0 : i32
        %dma_wait3A_306 = tpu.memref_slice %arg2[%mul3A_299, %dma_wait3A_305] : memref<320000x128xf32, #tpu.memory_space<hbm>> -> memref<128x128xf32, #tpu.memory_space<hbm>>
        %dma_wait3A_307 = arith.constant 0 : i32
        %dma_wait3A_308 = arith.constant 0 : i32
        %dma_wait3A_309 = tpu.memref_slice %arg6[%dma_wait3A_300, %dma_wait3A_307, %dma_wait3A_308] : memref<6x128x128xf32, #tpu.memory_space<vmem>> -> memref<1x128x128xf32, #tpu.memory_space<vmem>>
        %dma_wait3A_310 = tpu.memref_squeeze %dma_wait3A_309 : memref<1x128x128xf32, #tpu.memory_space<vmem>> -> memref<128x128xf32, #tpu.memory_space<vmem>>
        %dma_wait3A_311 = arith.constant 0 : i32
        %dma_wait3A_312 = tpu.memref_slice %arg2[%mul3A_299, %dma_wait3A_311] : memref<320000x128xf32, #tpu.memory_space<hbm>> -> memref<128x128xf32, #tpu.memory_space<hbm>>
        tpu.wait_dma2 semaphore(%arg15 : memref<!tpu.dma_semaphore, #tpu.memory_space<semaphore_mem>>) src(%dma_wait3A_312 : memref<128x128xf32, #tpu.memory_space<hbm>>) dst(%dma_wait3A_310 : memref<128x128xf32, #tpu.memory_space<vmem>>)
        %dma_start3A = arith.constant 4 : i32
        %dma_start3A_313 = arith.constant 4 : i32
        %dma_start3A_314 = arith.constant 0 : i32
        %dma_start3A_315 = arith.constant 0 : i32
        %dma_start3A_316 = arith.constant 0 : i32
        %dma_start3A_317 = tpu.memref_slice %arg6[%dma_start3A, %dma_start3A_315, %dma_start3A_316] : memref<6x128x128xf32, #tpu.memory_space<vmem>> -> memref<1x128x128xf32, #tpu.memory_space<vmem>>
        %dma_start3A_318 = tpu.memref_squeeze %dma_start3A_317 : memref<1x128x128xf32, #tpu.memory_space<vmem>> -> memref<128x128xf32, #tpu.memory_space<vmem>>
        %dma_start3A_319 = arith.constant 0 : i32
        %dma_start3A_320 = tpu.memref_slice %arg7[%dma_start3A_313, %dma_start3A_314, %dma_start3A_319] : memref<6x1x128xi32, #tpu.memory_space<vmem>> -> memref<1x1x128xi32, #tpu.memory_space<vmem>>
        %dma_start3A_321 = tpu.memref_squeeze %dma_start3A_320 : memref<1x1x128xi32, #tpu.memory_space<vmem>> -> memref<128xi32, #tpu.memory_space<vmem>>
        %dma_start3A_322 = arith.constant 0 : i32
        %dma_start3A_323 = arith.constant 0 : i32
        %dma_start3A_324 = tpu.memref_slice %arg10[%dma_start3A_322, %dma_start3A_323] : memref<1024x128xf32, #tpu.memory_space<vmem_shared>> -> memref<1024x128xf32, #tpu.memory_space<vmem_shared>>
        tpu.enqueue_indirect_dma source(%dma_start3A_318 : memref<128x128xf32, #tpu.memory_space<vmem>>) target(%dma_start3A_324 : memref<1024x128xf32, #tpu.memory_space<vmem_shared>>) offsets(%dma_start3A_321 : memref<128xi32, #tpu.memory_space<vmem>>) semaphore(%arg27 : memref<!tpu.dma_semaphore, #tpu.memory_space<semaphore_mem>>) {add = true}
        %get3A = arith.constant 4 : i32
        %get3A_325 = arith.constant 0 : i32
        %get3A_326 = arith.index_cast %get3A : i32 to index
        %get3A_327 = arith.index_cast %get3A_325 : i32 to index
        %get3A_328 = arith.constant 0 : index
        %get3A_329 = tpu.vector_load %arg7[%get3A_326, %get3A_327, %get3A_328] {strides = array<i32>} : memref<6x1x128xi32, #tpu.memory_space<vmem>>, vector<16xi32>,
        %broadcast_in_dim3A = arith.constant 1.000000e+00 : f32
        %broadcast_in_dim3A_330 = vector.broadcast %broadcast_in_dim3A : f32 to vector<16xf32>
        tpu.vector_store_idx %arg9[%get3A_329], %broadcast_in_dim3A_330 {add = true} : memref<1024xf32, #tpu.memory_space<vmem>>[vector<16xi32>], vector<16xf32>,
        %get3A_331 = arith.constant 4 : i32
        %get3A_332 = arith.constant 0 : i32
        %get3A_333 = arith.index_cast %get3A_331 : i32 to index
        %get3A_334 = arith.index_cast %get3A_332 : i32 to index
        %get3A_335 = arith.constant 16 : index
        %get3A_336 = tpu.vector_load %arg7[%get3A_333, %get3A_334, %get3A_335] {strides = array<i32>} : memref<6x1x128xi32, #tpu.memory_space<vmem>>, vector<16xi32>,
        %broadcast_in_dim3A_337 = arith.constant 1.000000e+00 : f32
        %broadcast_in_dim3A_338 = vector.broadcast %broadcast_in_dim3A_337 : f32 to vector<16xf32>
        tpu.vector_store_idx %arg9[%get3A_336], %broadcast_in_dim3A_338 {add = true} : memref<1024xf32, #tpu.memory_space<vmem>>[vector<16xi32>], vector<16xf32>,
        %get3A_339 = arith.constant 4 : i32
        %get3A_340 = arith.constant 0 : i32
        %get3A_341 = arith.index_cast %get3A_339 : i32 to index
        %get3A_342 = arith.index_cast %get3A_340 : i32 to index
        %get3A_343 = arith.constant 32 : index
        %get3A_344 = tpu.vector_load %arg7[%get3A_341, %get3A_342, %get3A_343] {strides = array<i32>} : memref<6x1x128xi32, #tpu.memory_space<vmem>>, vector<16xi32>,
        %broadcast_in_dim3A_345 = arith.constant 1.000000e+00 : f32
        %broadcast_in_dim3A_346 = vector.broadcast %broadcast_in_dim3A_345 : f32 to vector<16xf32>
        tpu.vector_store_idx %arg9[%get3A_344], %broadcast_in_dim3A_346 {add = true} : memref<1024xf32, #tpu.memory_space<vmem>>[vector<16xi32>], vector<16xf32>,
        %get3A_347 = arith.constant 4 : i32
        %get3A_348 = arith.constant 0 : i32
        %get3A_349 = arith.index_cast %get3A_347 : i32 to index
        %get3A_350 = arith.index_cast %get3A_348 : i32 to index
        %get3A_351 = arith.constant 48 : index
        %get3A_352 = tpu.vector_load %arg7[%get3A_349, %get3A_350, %get3A_351] {strides = array<i32>} : memref<6x1x128xi32, #tpu.memory_space<vmem>>, vector<16xi32>,
        %broadcast_in_dim3A_353 = arith.constant 1.000000e+00 : f32
        %broadcast_in_dim3A_354 = vector.broadcast %broadcast_in_dim3A_353 : f32 to vector<16xf32>
        tpu.vector_store_idx %arg9[%get3A_352], %broadcast_in_dim3A_354 {add = true} : memref<1024xf32, #tpu.memory_space<vmem>>[vector<16xi32>], vector<16xf32>,
        %get3A_355 = arith.constant 4 : i32
        %get3A_356 = arith.constant 0 : i32
        %get3A_357 = arith.index_cast %get3A_355 : i32 to index
        %get3A_358 = arith.index_cast %get3A_356 : i32 to index
        %get3A_359 = arith.constant 64 : index
        %get3A_360 = tpu.vector_load %arg7[%get3A_357, %get3A_358, %get3A_359] {strides = array<i32>} : memref<6x1x128xi32, #tpu.memory_space<vmem>>, vector<16xi32>,
        %broadcast_in_dim3A_361 = arith.constant 1.000000e+00 : f32
        %broadcast_in_dim3A_362 = vector.broadcast %broadcast_in_dim3A_361 : f32 to vector<16xf32>
        tpu.vector_store_idx %arg9[%get3A_360], %broadcast_in_dim3A_362 {add = true} : memref<1024xf32, #tpu.memory_space<vmem>>[vector<16xi32>], vector<16xf32>,
        %get3A_363 = arith.constant 4 : i32
        %get3A_364 = arith.constant 0 : i32
        %get3A_365 = arith.index_cast %get3A_363 : i32 to index
        %get3A_366 = arith.index_cast %get3A_364 : i32 to index
        %get3A_367 = arith.constant 80 : index
        %get3A_368 = tpu.vector_load %arg7[%get3A_365, %get3A_366, %get3A_367] {strides = array<i32>} : memref<6x1x128xi32, #tpu.memory_space<vmem>>, vector<16xi32>,
        %broadcast_in_dim3A_369 = arith.constant 1.000000e+00 : f32
        %broadcast_in_dim3A_370 = vector.broadcast %broadcast_in_dim3A_369 : f32 to vector<16xf32>
        tpu.vector_store_idx %arg9[%get3A_368], %broadcast_in_dim3A_370 {add = true} : memref<1024xf32, #tpu.memory_space<vmem>>[vector<16xi32>], vector<16xf32>,
        %get3A_371 = arith.constant 4 : i32
        %get3A_372 = arith.constant 0 : i32
        %get3A_373 = arith.index_cast %get3A_371 : i32 to index
        %get3A_374 = arith.index_cast %get3A_372 : i32 to index
        %get3A_375 = arith.constant 96 : index
        %get3A_376 = tpu.vector_load %arg7[%get3A_373, %get3A_374, %get3A_375] {strides = array<i32>} : memref<6x1x128xi32, #tpu.memory_space<vmem>>, vector<16xi32>,
        %broadcast_in_dim3A_377 = arith.constant 1.000000e+00 : f32
        %broadcast_in_dim3A_378 = vector.broadcast %broadcast_in_dim3A_377 : f32 to vector<16xf32>
        tpu.vector_store_idx %arg9[%get3A_376], %broadcast_in_dim3A_378 {add = true} : memref<1024xf32, #tpu.memory_space<vmem>>[vector<16xi32>], vector<16xf32>,
        %get3A_379 = arith.constant 4 : i32
        %get3A_380 = arith.constant 0 : i32
        %get3A_381 = arith.index_cast %get3A_379 : i32 to index
        %get3A_382 = arith.index_cast %get3A_380 : i32 to index
        %get3A_383 = arith.constant 112 : index
        %get3A_384 = tpu.vector_load %arg7[%get3A_381, %get3A_382, %get3A_383] {strides = array<i32>} : memref<6x1x128xi32, #tpu.memory_space<vmem>>, vector<16xi32>,
        %broadcast_in_dim3A_385 = arith.constant 1.000000e+00 : f32
        %broadcast_in_dim3A_386 = vector.broadcast %broadcast_in_dim3A_385 : f32 to vector<16xf32>
        tpu.vector_store_idx %arg9[%get3A_384], %broadcast_in_dim3A_386 {add = true} : memref<1024xf32, #tpu.memory_space<vmem>>[vector<16xi32>], vector<16xf32>,
      } else {
      }
      %sub3A_225 = arith.constant 3 : i32
      %sub3A_226 = arith.subi %add3A_216, %sub3A_225 : i32
      %mul3A_227 = arith.constant 32 : i32
      %mul3A_228 = arith.muli %sub3A_226, %mul3A_227 : i32
      %add3A_229 = arith.addi %mul3A_228, %add3A : i32
      %ge3A_230 = arith.constant 0 : i32
      %ge3A_231 = arith.cmpi sge, %add3A_229, %ge3A_230 : i32
      %lt3A_232 = arith.constant 2500 : i32
      %lt3A_233 = arith.cmpi slt, %add3A_229, %lt3A_232 : i32
      %and3A_234 = arith.andi %ge3A_231, %lt3A_233 : i1
      %convert_element_type3A_235 = arith.extui %and3A_234 : i1 to i32
      %cond3A_236 = arith.constant 0 : i32
      %cond3A_237 = arith.cmpi ne, %convert_element_type3A_235, %cond3A_236 : i32
      scf.if %cond3A_237 {
        %dma_wait3A = arith.constant 1 : i32
        %dma_wait3A_284 = arith.constant 1 : i32
        %dma_wait3A_285 = arith.constant 0 : i32
        %dma_wait3A_286 = arith.constant 0 : i32
        %dma_wait3A_287 = arith.constant 0 : i32
        %dma_wait3A_288 = tpu.memref_slice %arg6[%dma_wait3A, %dma_wait3A_286, %dma_wait3A_287] : memref<6x128x128xf32, #tpu.memory_space<vmem>> -> memref<1x128x128xf32, #tpu.memory_space<vmem>>
        %dma_wait3A_289 = tpu.memref_squeeze %dma_wait3A_288 : memref<1x128x128xf32, #tpu.memory_space<vmem>> -> memref<128x128xf32, #tpu.memory_space<vmem>>
        %dma_wait3A_290 = arith.constant 0 : i32
        %dma_wait3A_291 = tpu.memref_slice %arg7[%dma_wait3A_284, %dma_wait3A_285, %dma_wait3A_290] : memref<6x1x128xi32, #tpu.memory_space<vmem>> -> memref<1x1x128xi32, #tpu.memory_space<vmem>>
        %dma_wait3A_292 = tpu.memref_squeeze %dma_wait3A_291 : memref<1x1x128xi32, #tpu.memory_space<vmem>> -> memref<128xi32, #tpu.memory_space<vmem>>
        %dma_wait3A_293 = arith.constant 0 : i32
        %dma_wait3A_294 = arith.constant 0 : i32
        %dma_wait3A_295 = tpu.memref_slice %arg10[%dma_wait3A_293, %dma_wait3A_294] : memref<1024x128xf32, #tpu.memory_space<vmem_shared>> -> memref<1024x128xf32, #tpu.memory_space<vmem_shared>>
        tpu.wait_indirect_dma semaphore(%arg24 : memref<!tpu.dma_semaphore, #tpu.memory_space<semaphore_mem>>) src(%dma_wait3A_289 : memref<128x128xf32, #tpu.memory_space<vmem>>) dst(%dma_wait3A_295 : memref<1024x128xf32, #tpu.memory_space<vmem_shared>>)
      } else {
      }
      %add3A_238 = arith.constant 3 : i32
      %add3A_239 = arith.addi %add3A_216, %add3A_238 : i32
      %mul3A_240 = arith.constant 32 : i32
      %mul3A_241 = arith.muli %add3A_239, %mul3A_240 : i32
      %add3A_242 = arith.addi %mul3A_241, %add3A : i32
      %lt3A_243 = arith.constant 2500 : i32
      %lt3A_244 = arith.cmpi slt, %add3A_242, %lt3A_243 : i32
      %convert_element_type3A_245 = arith.extui %lt3A_244 : i1 to i32
      %cond3A_246 = arith.constant 0 : i32
      %cond3A_247 = arith.cmpi ne, %convert_element_type3A_245, %cond3A_246 : i32
      scf.if %cond3A_247 {
        %mul3A_284 = arith.constant 1 : i32
        %mul3A_285 = arith.muli %add3A_242, %mul3A_284 : i32
        %dma_start3A = arith.constant 1 : i32
        %dma_start3A_286 = arith.constant 0 : i32
        %dma_start3A_287 = arith.constant 0 : i32
        %dma_start3A_288 = tpu.memref_slice %arg7[%dma_start3A, %dma_start3A_286, %dma_start3A_287] : memref<6x1x128xi32, #tpu.memory_space<vmem>> -> memref<1x1x128xi32, #tpu.memory_space<vmem>>
        %dma_start3A_289 = tpu.memref_squeeze %dma_start3A_288 : memref<1x1x128xi32, #tpu.memory_space<vmem>> -> memref<1x128xi32, #tpu.memory_space<vmem>>
        %dma_start3A_290 = arith.constant 0 : i32
        %dma_start3A_291 = tpu.memref_slice %arg3[%mul3A_285, %dma_start3A_290] : memref<2500x128xi32, #tpu.memory_space<hbm>> -> memref<1x128xi32, #tpu.memory_space<hbm>>
        %dma_start3A_292 = arith.constant 0 : i32
        %dma_start3A_293 = arith.constant 0 : i32
        %dma_start3A_294 = tpu.memref_slice %arg7[%dma_start3A, %dma_start3A_292, %dma_start3A_293] : memref<6x1x128xi32, #tpu.memory_space<vmem>> -> memref<1x1x128xi32, #tpu.memory_space<vmem>>
        %dma_start3A_295 = tpu.memref_squeeze %dma_start3A_294 : memref<1x1x128xi32, #tpu.memory_space<vmem>> -> memref<1x128xi32, #tpu.memory_space<vmem>>
        %dma_start3A_296 = arith.constant 0 : i32
        %dma_start3A_297 = tpu.memref_slice %arg3[%mul3A_285, %dma_start3A_296] : memref<2500x128xi32, #tpu.memory_space<hbm>> -> memref<1x128xi32, #tpu.memory_space<hbm>>
        tpu.enqueue_dma source(%dma_start3A_297 : memref<1x128xi32, #tpu.memory_space<hbm>>) target(%dma_start3A_295 : memref<1x128xi32, #tpu.memory_space<vmem>>) target_semaphore(%arg18 : memref<!tpu.dma_semaphore, #tpu.memory_space<semaphore_mem>>)
        %mul3A_298 = arith.constant 128 : i32
        %mul3A_299 = arith.muli %add3A_242, %mul3A_298 : i32
        %dma_start3A_300 = arith.constant 1 : i32
        %dma_start3A_301 = arith.constant 0 : i32
        %dma_start3A_302 = arith.constant 0 : i32
        %dma_start3A_303 = tpu.memref_slice %arg6[%dma_start3A_300, %dma_start3A_301, %dma_start3A_302] : memref<6x128x128xf32, #tpu.memory_space<vmem>> -> memref<1x128x128xf32, #tpu.memory_space<vmem>>
        %dma_start3A_304 = tpu.memref_squeeze %dma_start3A_303 : memref<1x128x128xf32, #tpu.memory_space<vmem>> -> memref<128x128xf32, #tpu.memory_space<vmem>>
        %dma_start3A_305 = arith.constant 0 : i32
        %dma_start3A_306 = tpu.memref_slice %arg2[%mul3A_299, %dma_start3A_305] : memref<320000x128xf32, #tpu.memory_space<hbm>> -> memref<128x128xf32, #tpu.memory_space<hbm>>
        %dma_start3A_307 = arith.constant 0 : i32
        %dma_start3A_308 = arith.constant 0 : i32
        %dma_start3A_309 = tpu.memref_slice %arg6[%dma_start3A_300, %dma_start3A_307, %dma_start3A_308] : memref<6x128x128xf32, #tpu.memory_space<vmem>> -> memref<1x128x128xf32, #tpu.memory_space<vmem>>
        %dma_start3A_310 = tpu.memref_squeeze %dma_start3A_309 : memref<1x128x128xf32, #tpu.memory_space<vmem>> -> memref<128x128xf32, #tpu.memory_space<vmem>>
        %dma_start3A_311 = arith.constant 0 : i32
        %dma_start3A_312 = tpu.memref_slice %arg2[%mul3A_299, %dma_start3A_311] : memref<320000x128xf32, #tpu.memory_space<hbm>> -> memref<128x128xf32, #tpu.memory_space<hbm>>
        tpu.enqueue_dma source(%dma_start3A_312 : memref<128x128xf32, #tpu.memory_space<hbm>>) target(%dma_start3A_310 : memref<128x128xf32, #tpu.memory_space<vmem>>) target_semaphore(%arg12 : memref<!tpu.dma_semaphore, #tpu.memory_space<semaphore_mem>>)
      } else {
      }
      %mul3A_248 = arith.constant 6 : i32
      %mul3A_249 = arith.muli %mul3A_248, %scan3A_72 : i32
      %add3A_250 = arith.constant 5 : i32
      %add3A_251 = arith.addi %mul3A_249, %add3A_250 : i32
      %mul3A_252 = arith.constant 32 : i32
      %mul3A_253 = arith.muli %add3A_251, %mul3A_252 : i32
      %add3A_254 = arith.addi %mul3A_253, %add3A : i32
      %lt3A_255 = arith.constant 2500 : i32
      %lt3A_256 = arith.cmpi slt, %add3A_254, %lt3A_255 : i32
      %convert_element_type3A_257 = arith.extui %lt3A_256 : i1 to i32
      %cond3A_258 = arith.constant 0 : i32
      %cond3A_259 = arith.cmpi ne, %convert_element_type3A_257, %cond3A_258 : i32
      scf.if %cond3A_259 {
        %mul3A_284 = arith.constant 1 : i32
        %mul3A_285 = arith.muli %add3A_254, %mul3A_284 : i32
        %dma_wait3A = arith.constant 5 : i32
        %dma_wait3A_286 = arith.constant 0 : i32
        %dma_wait3A_287 = arith.constant 0 : i32
        %dma_wait3A_288 = tpu.memref_slice %arg7[%dma_wait3A, %dma_wait3A_286, %dma_wait3A_287] : memref<6x1x128xi32, #tpu.memory_space<vmem>> -> memref<1x1x128xi32, #tpu.memory_space<vmem>>
        %dma_wait3A_289 = tpu.memref_squeeze %dma_wait3A_288 : memref<1x1x128xi32, #tpu.memory_space<vmem>> -> memref<1x128xi32, #tpu.memory_space<vmem>>
        %dma_wait3A_290 = arith.constant 0 : i32
        %dma_wait3A_291 = tpu.memref_slice %arg3[%mul3A_285, %dma_wait3A_290] : memref<2500x128xi32, #tpu.memory_space<hbm>> -> memref<1x128xi32, #tpu.memory_space<hbm>>
        %dma_wait3A_292 = arith.constant 0 : i32
        %dma_wait3A_293 = arith.constant 0 : i32
        %dma_wait3A_294 = tpu.memref_slice %arg7[%dma_wait3A, %dma_wait3A_292, %dma_wait3A_293] : memref<6x1x128xi32, #tpu.memory_space<vmem>> -> memref<1x1x128xi32, #tpu.memory_space<vmem>>
        %dma_wait3A_295 = tpu.memref_squeeze %dma_wait3A_294 : memref<1x1x128xi32, #tpu.memory_space<vmem>> -> memref<1x128xi32, #tpu.memory_space<vmem>>
        %dma_wait3A_296 = arith.constant 0 : i32
        %dma_wait3A_297 = tpu.memref_slice %arg3[%mul3A_285, %dma_wait3A_296] : memref<2500x128xi32, #tpu.memory_space<hbm>> -> memref<1x128xi32, #tpu.memory_space<hbm>>
        tpu.wait_dma2 semaphore(%arg22 : memref<!tpu.dma_semaphore, #tpu.memory_space<semaphore_mem>>) src(%dma_wait3A_297 : memref<1x128xi32, #tpu.memory_space<hbm>>) dst(%dma_wait3A_295 : memref<1x128xi32, #tpu.memory_space<vmem>>)
        %mul3A_298 = arith.constant 128 : i32
        %mul3A_299 = arith.muli %add3A_254, %mul3A_298 : i32
        %dma_wait3A_300 = arith.constant 5 : i32
        %dma_wait3A_301 = arith.constant 0 : i32
        %dma_wait3A_302 = arith.constant 0 : i32
        %dma_wait3A_303 = tpu.memref_slice %arg6[%dma_wait3A_300, %dma_wait3A_301, %dma_wait3A_302] : memref<6x128x128xf32, #tpu.memory_space<vmem>> -> memref<1x128x128xf32, #tpu.memory_space<vmem>>
        %dma_wait3A_304 = tpu.memref_squeeze %dma_wait3A_303 : memref<1x128x128xf32, #tpu.memory_space<vmem>> -> memref<128x128xf32, #tpu.memory_space<vmem>>
        %dma_wait3A_305 = arith.constant 0 : i32
        %dma_wait3A_306 = tpu.memref_slice %arg2[%mul3A_299, %dma_wait3A_305] : memref<320000x128xf32, #tpu.memory_space<hbm>> -> memref<128x128xf32, #tpu.memory_space<hbm>>
        %dma_wait3A_307 = arith.constant 0 : i32
        %dma_wait3A_308 = arith.constant 0 : i32
        %dma_wait3A_309 = tpu.memref_slice %arg6[%dma_wait3A_300, %dma_wait3A_307, %dma_wait3A_308] : memref<6x128x128xf32, #tpu.memory_space<vmem>> -> memref<1x128x128xf32, #tpu.memory_space<vmem>>
        %dma_wait3A_310 = tpu.memref_squeeze %dma_wait3A_309 : memref<1x128x128xf32, #tpu.memory_space<vmem>> -> memref<128x128xf32, #tpu.memory_space<vmem>>
        %dma_wait3A_311 = arith.constant 0 : i32
        %dma_wait3A_312 = tpu.memref_slice %arg2[%mul3A_299, %dma_wait3A_311] : memref<320000x128xf32, #tpu.memory_space<hbm>> -> memref<128x128xf32, #tpu.memory_space<hbm>>
        tpu.wait_dma2 semaphore(%arg16 : memref<!tpu.dma_semaphore, #tpu.memory_space<semaphore_mem>>) src(%dma_wait3A_312 : memref<128x128xf32, #tpu.memory_space<hbm>>) dst(%dma_wait3A_310 : memref<128x128xf32, #tpu.memory_space<vmem>>)
        %dma_start3A = arith.constant 5 : i32
        %dma_start3A_313 = arith.constant 5 : i32
        %dma_start3A_314 = arith.constant 0 : i32
        %dma_start3A_315 = arith.constant 0 : i32
        %dma_start3A_316 = arith.constant 0 : i32
        %dma_start3A_317 = tpu.memref_slice %arg6[%dma_start3A, %dma_start3A_315, %dma_start3A_316] : memref<6x128x128xf32, #tpu.memory_space<vmem>> -> memref<1x128x128xf32, #tpu.memory_space<vmem>>
        %dma_start3A_318 = tpu.memref_squeeze %dma_start3A_317 : memref<1x128x128xf32, #tpu.memory_space<vmem>> -> memref<128x128xf32, #tpu.memory_space<vmem>>
        %dma_start3A_319 = arith.constant 0 : i32
        %dma_start3A_320 = tpu.memref_slice %arg7[%dma_start3A_313, %dma_start3A_314, %dma_start3A_319] : memref<6x1x128xi32, #tpu.memory_space<vmem>> -> memref<1x1x128xi32, #tpu.memory_space<vmem>>
        %dma_start3A_321 = tpu.memref_squeeze %dma_start3A_320 : memref<1x1x128xi32, #tpu.memory_space<vmem>> -> memref<128xi32, #tpu.memory_space<vmem>>
        %dma_start3A_322 = arith.constant 0 : i32
        %dma_start3A_323 = arith.constant 0 : i32
        %dma_start3A_324 = tpu.memref_slice %arg10[%dma_start3A_322, %dma_start3A_323] : memref<1024x128xf32, #tpu.memory_space<vmem_shared>> -> memref<1024x128xf32, #tpu.memory_space<vmem_shared>>
        tpu.enqueue_indirect_dma source(%dma_start3A_318 : memref<128x128xf32, #tpu.memory_space<vmem>>) target(%dma_start3A_324 : memref<1024x128xf32, #tpu.memory_space<vmem_shared>>) offsets(%dma_start3A_321 : memref<128xi32, #tpu.memory_space<vmem>>) semaphore(%arg28 : memref<!tpu.dma_semaphore, #tpu.memory_space<semaphore_mem>>) {add = true}
        %get3A = arith.constant 5 : i32
        %get3A_325 = arith.constant 0 : i32
        %get3A_326 = arith.index_cast %get3A : i32 to index
        %get3A_327 = arith.index_cast %get3A_325 : i32 to index
        %get3A_328 = arith.constant 0 : index
        %get3A_329 = tpu.vector_load %arg7[%get3A_326, %get3A_327, %get3A_328] {strides = array<i32>} : memref<6x1x128xi32, #tpu.memory_space<vmem>>, vector<16xi32>,
        %broadcast_in_dim3A = arith.constant 1.000000e+00 : f32
        %broadcast_in_dim3A_330 = vector.broadcast %broadcast_in_dim3A : f32 to vector<16xf32>
        tpu.vector_store_idx %arg9[%get3A_329], %broadcast_in_dim3A_330 {add = true} : memref<1024xf32, #tpu.memory_space<vmem>>[vector<16xi32>], vector<16xf32>,
        %get3A_331 = arith.constant 5 : i32
        %get3A_332 = arith.constant 0 : i32
        %get3A_333 = arith.index_cast %get3A_331 : i32 to index
        %get3A_334 = arith.index_cast %get3A_332 : i32 to index
        %get3A_335 = arith.constant 16 : index
        %get3A_336 = tpu.vector_load %arg7[%get3A_333, %get3A_334, %get3A_335] {strides = array<i32>} : memref<6x1x128xi32, #tpu.memory_space<vmem>>, vector<16xi32>,
        %broadcast_in_dim3A_337 = arith.constant 1.000000e+00 : f32
        %broadcast_in_dim3A_338 = vector.broadcast %broadcast_in_dim3A_337 : f32 to vector<16xf32>
        tpu.vector_store_idx %arg9[%get3A_336], %broadcast_in_dim3A_338 {add = true} : memref<1024xf32, #tpu.memory_space<vmem>>[vector<16xi32>], vector<16xf32>,
        %get3A_339 = arith.constant 5 : i32
        %get3A_340 = arith.constant 0 : i32
        %get3A_341 = arith.index_cast %get3A_339 : i32 to index
        %get3A_342 = arith.index_cast %get3A_340 : i32 to index
        %get3A_343 = arith.constant 32 : index
        %get3A_344 = tpu.vector_load %arg7[%get3A_341, %get3A_342, %get3A_343] {strides = array<i32>} : memref<6x1x128xi32, #tpu.memory_space<vmem>>, vector<16xi32>,
        %broadcast_in_dim3A_345 = arith.constant 1.000000e+00 : f32
        %broadcast_in_dim3A_346 = vector.broadcast %broadcast_in_dim3A_345 : f32 to vector<16xf32>
        tpu.vector_store_idx %arg9[%get3A_344], %broadcast_in_dim3A_346 {add = true} : memref<1024xf32, #tpu.memory_space<vmem>>[vector<16xi32>], vector<16xf32>,
        %get3A_347 = arith.constant 5 : i32
        %get3A_348 = arith.constant 0 : i32
        %get3A_349 = arith.index_cast %get3A_347 : i32 to index
        %get3A_350 = arith.index_cast %get3A_348 : i32 to index
        %get3A_351 = arith.constant 48 : index
        %get3A_352 = tpu.vector_load %arg7[%get3A_349, %get3A_350, %get3A_351] {strides = array<i32>} : memref<6x1x128xi32, #tpu.memory_space<vmem>>, vector<16xi32>,
        %broadcast_in_dim3A_353 = arith.constant 1.000000e+00 : f32
        %broadcast_in_dim3A_354 = vector.broadcast %broadcast_in_dim3A_353 : f32 to vector<16xf32>
        tpu.vector_store_idx %arg9[%get3A_352], %broadcast_in_dim3A_354 {add = true} : memref<1024xf32, #tpu.memory_space<vmem>>[vector<16xi32>], vector<16xf32>,
        %get3A_355 = arith.constant 5 : i32
        %get3A_356 = arith.constant 0 : i32
        %get3A_357 = arith.index_cast %get3A_355 : i32 to index
        %get3A_358 = arith.index_cast %get3A_356 : i32 to index
        %get3A_359 = arith.constant 64 : index
        %get3A_360 = tpu.vector_load %arg7[%get3A_357, %get3A_358, %get3A_359] {strides = array<i32>} : memref<6x1x128xi32, #tpu.memory_space<vmem>>, vector<16xi32>,
        %broadcast_in_dim3A_361 = arith.constant 1.000000e+00 : f32
        %broadcast_in_dim3A_362 = vector.broadcast %broadcast_in_dim3A_361 : f32 to vector<16xf32>
        tpu.vector_store_idx %arg9[%get3A_360], %broadcast_in_dim3A_362 {add = true} : memref<1024xf32, #tpu.memory_space<vmem>>[vector<16xi32>], vector<16xf32>,
        %get3A_363 = arith.constant 5 : i32
        %get3A_364 = arith.constant 0 : i32
        %get3A_365 = arith.index_cast %get3A_363 : i32 to index
        %get3A_366 = arith.index_cast %get3A_364 : i32 to index
        %get3A_367 = arith.constant 80 : index
        %get3A_368 = tpu.vector_load %arg7[%get3A_365, %get3A_366, %get3A_367] {strides = array<i32>} : memref<6x1x128xi32, #tpu.memory_space<vmem>>, vector<16xi32>,
        %broadcast_in_dim3A_369 = arith.constant 1.000000e+00 : f32
        %broadcast_in_dim3A_370 = vector.broadcast %broadcast_in_dim3A_369 : f32 to vector<16xf32>
        tpu.vector_store_idx %arg9[%get3A_368], %broadcast_in_dim3A_370 {add = true} : memref<1024xf32, #tpu.memory_space<vmem>>[vector<16xi32>], vector<16xf32>,
        %get3A_371 = arith.constant 5 : i32
        %get3A_372 = arith.constant 0 : i32
        %get3A_373 = arith.index_cast %get3A_371 : i32 to index
        %get3A_374 = arith.index_cast %get3A_372 : i32 to index
        %get3A_375 = arith.constant 96 : index
        %get3A_376 = tpu.vector_load %arg7[%get3A_373, %get3A_374, %get3A_375] {strides = array<i32>} : memref<6x1x128xi32, #tpu.memory_space<vmem>>, vector<16xi32>,
        %broadcast_in_dim3A_377 = arith.constant 1.000000e+00 : f32
        %broadcast_in_dim3A_378 = vector.broadcast %broadcast_in_dim3A_377 : f32 to vector<16xf32>
        tpu.vector_store_idx %arg9[%get3A_376], %broadcast_in_dim3A_378 {add = true} : memref<1024xf32, #tpu.memory_space<vmem>>[vector<16xi32>], vector<16xf32>,
        %get3A_379 = arith.constant 5 : i32
        %get3A_380 = arith.constant 0 : i32
        %get3A_381 = arith.index_cast %get3A_379 : i32 to index
        %get3A_382 = arith.index_cast %get3A_380 : i32 to index
        %get3A_383 = arith.constant 112 : index
        %get3A_384 = tpu.vector_load %arg7[%get3A_381, %get3A_382, %get3A_383] {strides = array<i32>} : memref<6x1x128xi32, #tpu.memory_space<vmem>>, vector<16xi32>,
        %broadcast_in_dim3A_385 = arith.constant 1.000000e+00 : f32
        %broadcast_in_dim3A_386 = vector.broadcast %broadcast_in_dim3A_385 : f32 to vector<16xf32>
        tpu.vector_store_idx %arg9[%get3A_384], %broadcast_in_dim3A_386 {add = true} : memref<1024xf32, #tpu.memory_space<vmem>>[vector<16xi32>], vector<16xf32>,
      } else {
      }
      %sub3A_260 = arith.constant 3 : i32
      %sub3A_261 = arith.subi %add3A_251, %sub3A_260 : i32
      %mul3A_262 = arith.constant 32 : i32
      %mul3A_263 = arith.muli %sub3A_261, %mul3A_262 : i32
      %add3A_264 = arith.addi %mul3A_263, %add3A : i32
      %ge3A_265 = arith.constant 0 : i32
      %ge3A_266 = arith.cmpi sge, %add3A_264, %ge3A_265 : i32
      %lt3A_267 = arith.constant 2500 : i32
      %lt3A_268 = arith.cmpi slt, %add3A_264, %lt3A_267 : i32
      %and3A_269 = arith.andi %ge3A_266, %lt3A_268 : i1
      %convert_element_type3A_270 = arith.extui %and3A_269 : i1 to i32
      %cond3A_271 = arith.constant 0 : i32
      %cond3A_272 = arith.cmpi ne, %convert_element_type3A_270, %cond3A_271 : i32
      scf.if %cond3A_272 {
        %dma_wait3A = arith.constant 2 : i32
        %dma_wait3A_284 = arith.constant 2 : i32
        %dma_wait3A_285 = arith.constant 0 : i32
        %dma_wait3A_286 = arith.constant 0 : i32
        %dma_wait3A_287 = arith.constant 0 : i32
        %dma_wait3A_288 = tpu.memref_slice %arg6[%dma_wait3A, %dma_wait3A_286, %dma_wait3A_287] : memref<6x128x128xf32, #tpu.memory_space<vmem>> -> memref<1x128x128xf32, #tpu.memory_space<vmem>>
        %dma_wait3A_289 = tpu.memref_squeeze %dma_wait3A_288 : memref<1x128x128xf32, #tpu.memory_space<vmem>> -> memref<128x128xf32, #tpu.memory_space<vmem>>
        %dma_wait3A_290 = arith.constant 0 : i32
        %dma_wait3A_291 = tpu.memref_slice %arg7[%dma_wait3A_284, %dma_wait3A_285, %dma_wait3A_290] : memref<6x1x128xi32, #tpu.memory_space<vmem>> -> memref<1x1x128xi32, #tpu.memory_space<vmem>>
        %dma_wait3A_292 = tpu.memref_squeeze %dma_wait3A_291 : memref<1x1x128xi32, #tpu.memory_space<vmem>> -> memref<128xi32, #tpu.memory_space<vmem>>
        %dma_wait3A_293 = arith.constant 0 : i32
        %dma_wait3A_294 = arith.constant 0 : i32
        %dma_wait3A_295 = tpu.memref_slice %arg10[%dma_wait3A_293, %dma_wait3A_294] : memref<1024x128xf32, #tpu.memory_space<vmem_shared>> -> memref<1024x128xf32, #tpu.memory_space<vmem_shared>>
        tpu.wait_indirect_dma semaphore(%arg25 : memref<!tpu.dma_semaphore, #tpu.memory_space<semaphore_mem>>) src(%dma_wait3A_289 : memref<128x128xf32, #tpu.memory_space<vmem>>) dst(%dma_wait3A_295 : memref<1024x128xf32, #tpu.memory_space<vmem_shared>>)
      } else {
      }
      %add3A_273 = arith.constant 3 : i32
      %add3A_274 = arith.addi %add3A_251, %add3A_273 : i32
      %mul3A_275 = arith.constant 32 : i32
      %mul3A_276 = arith.muli %add3A_274, %mul3A_275 : i32
      %add3A_277 = arith.addi %mul3A_276, %add3A : i32
      %lt3A_278 = arith.constant 2500 : i32
      %lt3A_279 = arith.cmpi slt, %add3A_277, %lt3A_278 : i32
      %convert_element_type3A_280 = arith.extui %lt3A_279 : i1 to i32
      %cond3A_281 = arith.constant 0 : i32
      %cond3A_282 = arith.cmpi ne, %convert_element_type3A_280, %cond3A_281 : i32
      scf.if %cond3A_282 {
        %mul3A_284 = arith.constant 1 : i32
        %mul3A_285 = arith.muli %add3A_277, %mul3A_284 : i32
        %dma_start3A = arith.constant 2 : i32
        %dma_start3A_286 = arith.constant 0 : i32
        %dma_start3A_287 = arith.constant 0 : i32
        %dma_start3A_288 = tpu.memref_slice %arg7[%dma_start3A, %dma_start3A_286, %dma_start3A_287] : memref<6x1x128xi32, #tpu.memory_space<vmem>> -> memref<1x1x128xi32, #tpu.memory_space<vmem>>
        %dma_start3A_289 = tpu.memref_squeeze %dma_start3A_288 : memref<1x1x128xi32, #tpu.memory_space<vmem>> -> memref<1x128xi32, #tpu.memory_space<vmem>>
        %dma_start3A_290 = arith.constant 0 : i32
        %dma_start3A_291 = tpu.memref_slice %arg3[%mul3A_285, %dma_start3A_290] : memref<2500x128xi32, #tpu.memory_space<hbm>> -> memref<1x128xi32, #tpu.memory_space<hbm>>
        %dma_start3A_292 = arith.constant 0 : i32
        %dma_start3A_293 = arith.constant 0 : i32
        %dma_start3A_294 = tpu.memref_slice %arg7[%dma_start3A, %dma_start3A_292, %dma_start3A_293] : memref<6x1x128xi32, #tpu.memory_space<vmem>> -> memref<1x1x128xi32, #tpu.memory_space<vmem>>
        %dma_start3A_295 = tpu.memref_squeeze %dma_start3A_294 : memref<1x1x128xi32, #tpu.memory_space<vmem>> -> memref<1x128xi32, #tpu.memory_space<vmem>>
        %dma_start3A_296 = arith.constant 0 : i32
        %dma_start3A_297 = tpu.memref_slice %arg3[%mul3A_285, %dma_start3A_296] : memref<2500x128xi32, #tpu.memory_space<hbm>> -> memref<1x128xi32, #tpu.memory_space<hbm>>
        tpu.enqueue_dma source(%dma_start3A_297 : memref<1x128xi32, #tpu.memory_space<hbm>>) target(%dma_start3A_295 : memref<1x128xi32, #tpu.memory_space<vmem>>) target_semaphore(%arg19 : memref<!tpu.dma_semaphore, #tpu.memory_space<semaphore_mem>>)
        %mul3A_298 = arith.constant 128 : i32
        %mul3A_299 = arith.muli %add3A_277, %mul3A_298 : i32
        %dma_start3A_300 = arith.constant 2 : i32
        %dma_start3A_301 = arith.constant 0 : i32
        %dma_start3A_302 = arith.constant 0 : i32
        %dma_start3A_303 = tpu.memref_slice %arg6[%dma_start3A_300, %dma_start3A_301, %dma_start3A_302] : memref<6x128x128xf32, #tpu.memory_space<vmem>> -> memref<1x128x128xf32, #tpu.memory_space<vmem>>
        %dma_start3A_304 = tpu.memref_squeeze %dma_start3A_303 : memref<1x128x128xf32, #tpu.memory_space<vmem>> -> memref<128x128xf32, #tpu.memory_space<vmem>>
        %dma_start3A_305 = arith.constant 0 : i32
        %dma_start3A_306 = tpu.memref_slice %arg2[%mul3A_299, %dma_start3A_305] : memref<320000x128xf32, #tpu.memory_space<hbm>> -> memref<128x128xf32, #tpu.memory_space<hbm>>
        %dma_start3A_307 = arith.constant 0 : i32
        %dma_start3A_308 = arith.constant 0 : i32
        %dma_start3A_309 = tpu.memref_slice %arg6[%dma_start3A_300, %dma_start3A_307, %dma_start3A_308] : memref<6x128x128xf32, #tpu.memory_space<vmem>> -> memref<1x128x128xf32, #tpu.memory_space<vmem>>
        %dma_start3A_310 = tpu.memref_squeeze %dma_start3A_309 : memref<1x128x128xf32, #tpu.memory_space<vmem>> -> memref<128x128xf32, #tpu.memory_space<vmem>>
        %dma_start3A_311 = arith.constant 0 : i32
        %dma_start3A_312 = tpu.memref_slice %arg2[%mul3A_299, %dma_start3A_311] : memref<320000x128xf32, #tpu.memory_space<hbm>> -> memref<128x128xf32, #tpu.memory_space<hbm>>
        tpu.enqueue_dma source(%dma_start3A_312 : memref<128x128xf32, #tpu.memory_space<hbm>>) target(%dma_start3A_310 : memref<128x128xf32, #tpu.memory_space<vmem>>) target_semaphore(%arg13 : memref<!tpu.dma_semaphore, #tpu.memory_space<semaphore_mem>>)
      } else {
      }
      %scan3A_283 = arith.constant 0 : i32
      scf.yield %scan3A_283 : i32
    }
    %scan3A_40 = arith.constant 14 : i32
    %add3A_41 = arith.constant 2592 : i32
    %add3A_42 = arith.addi %add3A_41, %add3A : i32
    %ge3A = arith.constant 0 : i32
    %ge3A_43 = arith.cmpi sge, %add3A_42, %ge3A : i32
    %lt3A_44 = arith.constant 2500 : i32
    %lt3A_45 = arith.cmpi slt, %add3A_42, %lt3A_44 : i32
    %and3A = arith.andi %ge3A_43, %lt3A_45 : i1
    %convert_element_type3A_46 = arith.extui %and3A : i1 to i32
    %cond3A_47 = arith.constant 0 : i32
    %cond3A_48 = arith.cmpi ne, %convert_element_type3A_46, %cond3A_47 : i32
    scf.if %cond3A_48 {
      %dma_wait3A = arith.constant 3 : i32
      %dma_wait3A_72 = arith.constant 3 : i32
      %dma_wait3A_73 = arith.constant 0 : i32
      %dma_wait3A_74 = arith.constant 0 : i32
      %dma_wait3A_75 = arith.constant 0 : i32
      %dma_wait3A_76 = tpu.memref_slice %arg6[%dma_wait3A, %dma_wait3A_74, %dma_wait3A_75] : memref<6x128x128xf32, #tpu.memory_space<vmem>> -> memref<1x128x128xf32, #tpu.memory_space<vmem>>
      %dma_wait3A_77 = tpu.memref_squeeze %dma_wait3A_76 : memref<1x128x128xf32, #tpu.memory_space<vmem>> -> memref<128x128xf32, #tpu.memory_space<vmem>>
      %dma_wait3A_78 = arith.constant 0 : i32
      %dma_wait3A_79 = tpu.memref_slice %arg7[%dma_wait3A_72, %dma_wait3A_73, %dma_wait3A_78] : memref<6x1x128xi32, #tpu.memory_space<vmem>> -> memref<1x1x128xi32, #tpu.memory_space<vmem>>
      %dma_wait3A_80 = tpu.memref_squeeze %dma_wait3A_79 : memref<1x1x128xi32, #tpu.memory_space<vmem>> -> memref<128xi32, #tpu.memory_space<vmem>>
      %dma_wait3A_81 = arith.constant 0 : i32
      %dma_wait3A_82 = arith.constant 0 : i32
      %dma_wait3A_83 = tpu.memref_slice %arg10[%dma_wait3A_81, %dma_wait3A_82] : memref<1024x128xf32, #tpu.memory_space<vmem_shared>> -> memref<1024x128xf32, #tpu.memory_space<vmem_shared>>
      tpu.wait_indirect_dma semaphore(%arg26 : memref<!tpu.dma_semaphore, #tpu.memory_space<semaphore_mem>>) src(%dma_wait3A_77 : memref<128x128xf32, #tpu.memory_space<vmem>>) dst(%dma_wait3A_83 : memref<1024x128xf32, #tpu.memory_space<vmem_shared>>)
    } else {
    }
    %add3A_49 = arith.constant 2624 : i32
    %add3A_50 = arith.addi %add3A_49, %add3A : i32
    %ge3A_51 = arith.constant 0 : i32
    %ge3A_52 = arith.cmpi sge, %add3A_50, %ge3A_51 : i32
    %lt3A_53 = arith.constant 2500 : i32
    %lt3A_54 = arith.cmpi slt, %add3A_50, %lt3A_53 : i32
    %and3A_55 = arith.andi %ge3A_52, %lt3A_54 : i1
    %convert_element_type3A_56 = arith.extui %and3A_55 : i1 to i32
    %cond3A_57 = arith.constant 0 : i32
    %cond3A_58 = arith.cmpi ne, %convert_element_type3A_56, %cond3A_57 : i32
    scf.if %cond3A_58 {
      %dma_wait3A = arith.constant 4 : i32
      %dma_wait3A_72 = arith.constant 4 : i32
      %dma_wait3A_73 = arith.constant 0 : i32
      %dma_wait3A_74 = arith.constant 0 : i32
      %dma_wait3A_75 = arith.constant 0 : i32
      %dma_wait3A_76 = tpu.memref_slice %arg6[%dma_wait3A, %dma_wait3A_74, %dma_wait3A_75] : memref<6x128x128xf32, #tpu.memory_space<vmem>> -> memref<1x128x128xf32, #tpu.memory_space<vmem>>
      %dma_wait3A_77 = tpu.memref_squeeze %dma_wait3A_76 : memref<1x128x128xf32, #tpu.memory_space<vmem>> -> memref<128x128xf32, #tpu.memory_space<vmem>>
      %dma_wait3A_78 = arith.constant 0 : i32
      %dma_wait3A_79 = tpu.memref_slice %arg7[%dma_wait3A_72, %dma_wait3A_73, %dma_wait3A_78] : memref<6x1x128xi32, #tpu.memory_space<vmem>> -> memref<1x1x128xi32, #tpu.memory_space<vmem>>
      %dma_wait3A_80 = tpu.memref_squeeze %dma_wait3A_79 : memref<1x1x128xi32, #tpu.memory_space<vmem>> -> memref<128xi32, #tpu.memory_space<vmem>>
      %dma_wait3A_81 = arith.constant 0 : i32
      %dma_wait3A_82 = arith.constant 0 : i32
      %dma_wait3A_83 = tpu.memref_slice %arg10[%dma_wait3A_81, %dma_wait3A_82] : memref<1024x128xf32, #tpu.memory_space<vmem_shared>> -> memref<1024x128xf32, #tpu.memory_space<vmem_shared>>
      tpu.wait_indirect_dma semaphore(%arg27 : memref<!tpu.dma_semaphore, #tpu.memory_space<semaphore_mem>>) src(%dma_wait3A_77 : memref<128x128xf32, #tpu.memory_space<vmem>>) dst(%dma_wait3A_83 : memref<1024x128xf32, #tpu.memory_space<vmem_shared>>)
    } else {
    }
    %add3A_59 = arith.constant 2656 : i32
    %add3A_60 = arith.addi %add3A_59, %add3A : i32
    %ge3A_61 = arith.constant 0 : i32
    %ge3A_62 = arith.cmpi sge, %add3A_60, %ge3A_61 : i32
    %lt3A_63 = arith.constant 2500 : i32
    %lt3A_64 = arith.cmpi slt, %add3A_60, %lt3A_63 : i32
    %and3A_65 = arith.andi %ge3A_62, %lt3A_64 : i1
    %convert_element_type3A_66 = arith.extui %and3A_65 : i1 to i32
    %cond3A_67 = arith.constant 0 : i32
    %cond3A_68 = arith.cmpi ne, %convert_element_type3A_66, %cond3A_67 : i32
    scf.if %cond3A_68 {
      %dma_wait3A = arith.constant 5 : i32
      %dma_wait3A_72 = arith.constant 5 : i32
      %dma_wait3A_73 = arith.constant 0 : i32
      %dma_wait3A_74 = arith.constant 0 : i32
      %dma_wait3A_75 = arith.constant 0 : i32
      %dma_wait3A_76 = tpu.memref_slice %arg6[%dma_wait3A, %dma_wait3A_74, %dma_wait3A_75] : memref<6x128x128xf32, #tpu.memory_space<vmem>> -> memref<1x128x128xf32, #tpu.memory_space<vmem>>
      %dma_wait3A_77 = tpu.memref_squeeze %dma_wait3A_76 : memref<1x128x128xf32, #tpu.memory_space<vmem>> -> memref<128x128xf32, #tpu.memory_space<vmem>>
      %dma_wait3A_78 = arith.constant 0 : i32
      %dma_wait3A_79 = tpu.memref_slice %arg7[%dma_wait3A_72, %dma_wait3A_73, %dma_wait3A_78] : memref<6x1x128xi32, #tpu.memory_space<vmem>> -> memref<1x1x128xi32, #tpu.memory_space<vmem>>
      %dma_wait3A_80 = tpu.memref_squeeze %dma_wait3A_79 : memref<1x1x128xi32, #tpu.memory_space<vmem>> -> memref<128xi32, #tpu.memory_space<vmem>>
      %dma_wait3A_81 = arith.constant 0 : i32
      %dma_wait3A_82 = arith.constant 0 : i32
      %dma_wait3A_83 = tpu.memref_slice %arg10[%dma_wait3A_81, %dma_wait3A_82] : memref<1024x128xf32, #tpu.memory_space<vmem_shared>> -> memref<1024x128xf32, #tpu.memory_space<vmem_shared>>
      tpu.wait_indirect_dma semaphore(%arg28 : memref<!tpu.dma_semaphore, #tpu.memory_space<semaphore_mem>>) src(%dma_wait3A_77 : memref<128x128xf32, #tpu.memory_space<vmem>>) dst(%dma_wait3A_83 : memref<1024x128xf32, #tpu.memory_space<vmem_shared>>)
    } else {
    }
    %barrier3A_69 = arith.constant 0 : index
    tpu.barrier barrier_id(%barrier3A_69)
    %mul3A_70 = arith.constant 64 : i32
    %mul3A_71 = arith.muli %arg1, %mul3A_70 : i32
    "tpu.region"() ({
      %run_scoped3A = tpu.sem_alloc : memref<!tpu.dma_semaphore, #tpu.memory_space<semaphore_mem>>
      %dma_start3A = arith.constant 0 : i32
      %dma_start3A_72 = tpu.memref_slice %arg4[%arg0, %mul3A_71, %dma_start3A] : memref<2x1024x128xf32, #tpu.memory_space<hbm>> -> memref<1x64x128xf32, #tpu.memory_space<hbm>>
      %dma_start3A_73 = tpu.memref_squeeze %dma_start3A_72 : memref<1x64x128xf32, #tpu.memory_space<hbm>> -> memref<64x128xf32, #tpu.memory_space<hbm>>
      %dma_start3A_74 = arith.constant 0 : i32
      %dma_start3A_75 = tpu.memref_slice %arg10[%mul3A_71, %dma_start3A_74] : memref<1024x128xf32, #tpu.memory_space<vmem_shared>> -> memref<64x128xf32, #tpu.memory_space<vmem_shared>>
      tpu.enqueue_dma source(%dma_start3A_75 : memref<64x128xf32, #tpu.memory_space<vmem_shared>>) target(%dma_start3A_73 : memref<64x128xf32, #tpu.memory_space<hbm>>) target_semaphore(%run_scoped3A : memref<!tpu.dma_semaphore, #tpu.memory_space<semaphore_mem>>)
      %dma_wait3A = arith.constant 0 : i32
      %dma_wait3A_76 = tpu.memref_slice %arg4[%arg0, %mul3A_71, %dma_wait3A] : memref<2x1024x128xf32, #tpu.memory_space<hbm>> -> memref<1x64x128xf32, #tpu.memory_space<hbm>>
      %dma_wait3A_77 = tpu.memref_squeeze %dma_wait3A_76 : memref<1x64x128xf32, #tpu.memory_space<hbm>> -> memref<64x128xf32, #tpu.memory_space<hbm>>
      %dma_wait3A_78 = arith.constant 0 : i32
      %dma_wait3A_79 = tpu.memref_slice %arg10[%mul3A_71, %dma_wait3A_78] : memref<1024x128xf32, #tpu.memory_space<vmem_shared>> -> memref<64x128xf32, #tpu.memory_space<vmem_shared>>
      tpu.wait_dma2 semaphore(%run_scoped3A : memref<!tpu.dma_semaphore, #tpu.memory_space<semaphore_mem>>) src(%dma_wait3A_79 : memref<64x128xf32, #tpu.memory_space<vmem_shared>>) dst(%dma_wait3A_77 : memref<64x128xf32, #tpu.memory_space<hbm>>)
      tpu.yield
    }) : () -> ()
    "tpu.region"() ({
      %run_scoped3A = tpu.sem_alloc : memref<!tpu.dma_semaphore, #tpu.memory_space<semaphore_mem>>
      %dma_start3A = arith.constant 0 : i32
      %dma_start3A_72 = tpu.memref_slice %arg5[%add3A, %dma_start3A] : memref<32x1024xf32, #tpu.memory_space<hbm>> -> memref<1x1024xf32, #tpu.memory_space<hbm>>
      %dma_start3A_73 = tpu.memref_squeeze %dma_start3A_72 : memref<1x1024xf32, #tpu.memory_space<hbm>> -> memref<1024xf32, #tpu.memory_space<hbm>>
      %dma_start3A_74 = arith.constant 0 : i32
      %dma_start3A_75 = tpu.memref_slice %arg5[%add3A, %dma_start3A_74] : memref<32x1024xf32, #tpu.memory_space<hbm>> -> memref<1x1024xf32, #tpu.memory_space<hbm>>
      %dma_start3A_76 = tpu.memref_squeeze %dma_start3A_75 : memref<1x1024xf32, #tpu.memory_space<hbm>> -> memref<1024xf32, #tpu.memory_space<hbm>>
      tpu.enqueue_dma source(%arg9 : memref<1024xf32, #tpu.memory_space<vmem>>) target(%dma_start3A_76 : memref<1024xf32, #tpu.memory_space<hbm>>) target_semaphore(%run_scoped3A : memref<!tpu.dma_semaphore, #tpu.memory_space<semaphore_mem>>)
      %dma_wait3A = arith.constant 0 : i32
      %dma_wait3A_77 = tpu.memref_slice %arg5[%add3A, %dma_wait3A] : memref<32x1024xf32, #tpu.memory_space<hbm>> -> memref<1x1024xf32, #tpu.memory_space<hbm>>
      %dma_wait3A_78 = tpu.memref_squeeze %dma_wait3A_77 : memref<1x1024xf32, #tpu.memory_space<hbm>> -> memref<1024xf32, #tpu.memory_space<hbm>>
      %dma_wait3A_79 = arith.constant 0 : i32
      %dma_wait3A_80 = tpu.memref_slice %arg5[%add3A, %dma_wait3A_79] : memref<32x1024xf32, #tpu.memory_space<hbm>> -> memref<1x1024xf32, #tpu.memory_space<hbm>>
      %dma_wait3A_81 = tpu.memref_squeeze %dma_wait3A_80 : memref<1x1024xf32, #tpu.memory_space<hbm>> -> memref<1024xf32, #tpu.memory_space<hbm>>
      tpu.wait_dma2 semaphore(%run_scoped3A : memref<!tpu.dma_semaphore, #tpu.memory_space<semaphore_mem>>) src(%arg9 : memref<1024xf32, #tpu.memory_space<vmem>>) dst(%dma_wait3A_81 : memref<1024xf32, #tpu.memory_space<hbm>>)
      tpu.yield
    }) : () -> ()
    return
  }
}

module attributes {stable_mosaic.version = 14 : i64} {
  func.func @body(%arg0: memref<2x1024x128xf32, #tpu.memory_space<vmem>>, %arg1: memref<32x1024xf32, #tpu.memory_space<vmem>>, %arg2: memref<128x128xf32, #tpu.memory_space<vmem>>, %arg3: memref<1x128xf32, #tpu.memory_space<vmem>>, %arg4: memref<128x1xf32, #tpu.memory_space<vmem>>, %arg5: memref<1x1xf32, #tpu.memory_space<vmem>>, %arg6: memref<1024x1xf32, #tpu.memory_space<vmem>>) attributes {dimension_semantics = [], scalar_prefetch = 0 : i64, scratch_operands = 0 : i64, tpu.core_type = #tpu.core_type<tc>} {
    %get3A = arith.constant 0 : index
    %get3A_0 = arith.constant 0 : index
    %get3A_1 = arith.constant 0 : index
    %get3A_2 = vector.load %arg0[%get3A, %get3A_0, %get3A_1] : memref<2x1024x128xf32, #tpu.memory_space<vmem>>, vector<1x1024x128xf32>
    %get3A_3 = vector.shape_cast %get3A_2 : vector<1x1024x128xf32> to vector<1024x128xf32>
    %get3A_4 = arith.constant 1 : index
    %get3A_5 = arith.constant 0 : index
    %get3A_6 = arith.constant 0 : index
    %get3A_7 = vector.load %arg0[%get3A_4, %get3A_5, %get3A_6] : memref<2x1024x128xf32, #tpu.memory_space<vmem>>, vector<1x1024x128xf32>
    %get3A_8 = vector.shape_cast %get3A_7 : vector<1x1024x128xf32> to vector<1024x128xf32>
    %add3A = arith.addf %get3A_3, %get3A_8 : vector<1024x128xf32>
    %get3A_9 = arith.constant 0 : index
    %get3A_10 = arith.constant 0 : index
    %get3A_11 = vector.load %arg1[%get3A_9, %get3A_10] : memref<32x1024xf32, #tpu.memory_space<vmem>>, vector<32x1024xf32>
    %reduce_sum3A = arith.constant dense<0.000000e+00> : vector<1024xf32>
    %reduce_sum3A_12 = vector.multi_reduction <add>, %get3A_11, %reduce_sum3A [0] : vector<32x1024xf32> to vector<1024xf32>
    %max3A = arith.constant 1.000000e+00 : f32
    %max3A_13 = vector.broadcast %max3A : f32 to vector<1024xf32>
    %max3A_14 = arith.maximumf %reduce_sum3A_12, %max3A_13 : vector<1024xf32>
    %broadcast_in_dim3A = vector.shape_cast %max3A_14 : vector<1024xf32> to vector<1024x1xf32>
    %div3A = vector.broadcast %broadcast_in_dim3A : vector<1024x1xf32> to vector<1024x128xf32>
    %div3A_15 = arith.divf %add3A, %div3A : vector<1024x128xf32>
    %get3A_16 = arith.constant 0 : index
    %get3A_17 = arith.constant 0 : index
    %get3A_18 = vector.load %arg2[%get3A_16, %get3A_17] : memref<128x128xf32, #tpu.memory_space<vmem>>, vector<128x128xf32>
    %dot_general3A = arith.constant dense<0.000000e+00> : vector<1024x128xf32>
    %dot_general3A_19 = tpu.matmul %div3A_15, %get3A_18, %dot_general3A {dimension_numbers = #tpu.dot_dimension_numbers<[1], [0], [0], [1], [0, 0, 1, 1], [], []>, transpose_lhs_hint = false} : vector<1024x128xf32>, vector<128x128xf32>, vector<1024x128xf32> -> vector<1024x128xf32>
    %get3A_20 = arith.constant 0 : index
    %get3A_21 = arith.constant 0 : index
    %get3A_22 = vector.load %arg3[%get3A_20, %get3A_21] : memref<1x128xf32, #tpu.memory_space<vmem>>, vector<1x128xf32>
    %get3A_23 = vector.shape_cast %get3A_22 : vector<1x128xf32> to vector<128xf32>
    %broadcast_in_dim3A_24 = vector.shape_cast %get3A_23 : vector<128xf32> to vector<1x128xf32>
    %add3A_25 = vector.broadcast %broadcast_in_dim3A_24 : vector<1x128xf32> to vector<1024x128xf32>
    %add3A_26 = arith.addf %dot_general3A_19, %add3A_25 : vector<1024x128xf32>
    %max3A_27 = arith.constant 0.000000e+00 : f32
    %max3A_28 = vector.broadcast %max3A_27 : f32 to vector<1024x128xf32>
    %max3A_29 = arith.maximumf %add3A_26, %max3A_28 : vector<1024x128xf32>
    %get3A_30 = arith.constant 0 : index
    %get3A_31 = arith.constant 0 : index
    %get3A_32 = vector.load %arg4[%get3A_30, %get3A_31] : memref<128x1xf32, #tpu.memory_space<vmem>>, vector<128x1xf32>
    %dot_general3A_33 = arith.constant dense<0.000000e+00> : vector<1024x1xf32>
    %dot_general3A_34 = tpu.matmul %max3A_29, %get3A_32, %dot_general3A_33 {dimension_numbers = #tpu.dot_dimension_numbers<[1], [0], [0], [1], [0, 0, 1, 1], [], []>, transpose_lhs_hint = false} : vector<1024x128xf32>, vector<128x1xf32>, vector<1024x1xf32> -> vector<1024x1xf32>
    %get3A_35 = arith.constant 0 : index
    %get3A_36 = arith.constant 0 : index
    %get3A_37 = vector.load %arg5[%get3A_35, %get3A_36] : memref<1x1xf32, #tpu.memory_space<vmem>>, vector<1x1xf32>
    %get3A_38 = vector.extract %get3A_37[0, 0] : f32 from vector<1x1xf32>
    %add3A_39 = vector.broadcast %get3A_38 : f32 to vector<1024x1xf32>
    %add3A_40 = arith.addf %dot_general3A_34, %add3A_39 : vector<1024x1xf32>
    %neg3A = arith.constant 0.000000e+00 : f32
    %neg3A_41 = vector.broadcast %neg3A : f32 to vector<1024x1xf32>
    %neg3A_42 = arith.subf %neg3A_41, %add3A_40 : vector<1024x1xf32>
    %exp3A = math.exp %neg3A_42 : vector<1024x1xf32>
    %add3A_43 = arith.constant 1.000000e+00 : f32
    %add3A_44 = vector.broadcast %add3A_43 : f32 to vector<1024x1xf32>
    %add3A_45 = arith.addf %add3A_44, %exp3A : vector<1024x1xf32>
    %div3A_46 = arith.constant 1.000000e+00 : f32
    %div3A_47 = vector.broadcast %div3A_46 : f32 to vector<1024x1xf32>
    %div3A_48 = arith.divf %div3A_47, %add3A_45 : vector<1024x1xf32>
    %swap3A = arith.constant 0 : index
    %swap3A_49 = arith.constant 0 : index
    %swap3A_50 = vector.load %arg6[%swap3A, %swap3A_49] : memref<1024x1xf32, #tpu.memory_space<vmem>>, vector<1024x1xf32>
    tpu.vector_store %arg6[%swap3A, %swap3A_49], %div3A_48 {strides = array<i32>} : memref<1024x1xf32, #tpu.memory_space<vmem>>, vector<1024x1xf32>,
    return
  }
}

</mosaic_0001>

<sc_bundles>
// kernel: kernel.4.cloned.1.call-start
scs
__scs_entry_jumppad:
0x0: {  	(pc) =	sbr.rel $0x88, $3  }
0x1: {  	(tag) =	ssettag $0x0;
	lr =	simm.s32 $0x1  }
0x2: {  	[smem:$0x3F9B] =	sst lr;
	_ =	strace $0xD0000000  }
0x3: {  	_ = 	snop  }
0x4: {  	_ = 	snop  }
0x5: {  	_ = 	snop  }
0x6: {  	_ = 	snop  }
0x7: {  	_ = 	snop  }
__scs_overlays_trampoline_lowered:
0x8: {  	[smem:$0x3FAA] =	sst s0  }
0x9: {  	[smem:$0x3FAB] =	sst s1  }
0xa: {  	[smem:$0x3FAC] =	sst s2  }
0xb: {  	[smem:$0x3FAD] =	sst s3  }
0xc: {  	[smem:$0x3FAE] =	sst s4  }
0xd: {  	[smem:$0x3FAF] =	sst s5  }
0xe: {  	[smem:$0x3FB0] =	sst s6  }
0xf: {  	[smem:$0x3FB1] =	sst s7  }
0x10: {  	[smem:$0x3FB2] =	sst s8  }
0x11: {  	[smem:$0x3FB3] =	sst s9;
	s0 =	simm.s32 @!p0 $0x0  }
0x12: {  	s1 =	sld [smem:$0x3F99];
	s0 =	simm.s32 @p0 $0x1  }
0x13: {  	[smem:$0x3FB4] =	sst s0;
	s0 =	simm.s32 @!p1 $0x0  }
0x14: {  	s2 =	sld [smem:$0x3F98];
	s0 =	simm.s32 @p1 $0x1  }
0x15: {  	[smem:$0x3FB5] =	sst s0;
	s0 =	simm.s32 @!p2 $0x0  }
0x16: {  	s3 =	sld [smem:$0x3FDB];
	s0 =	simm.s32 @p2 $0x1  }
0x17: {  	s4 =	simm.s32 $0x1BF5;
	[smem:$0x3FB7] =	sst s0  }
0x18: {  	s0 =	sld [smem:$0x3F9A];
	_ =	swait.ge [sflag:s4], $0x0  }
0x19: {  	s7 =	sld [smem:$0x3F9B]  }
0x1a: {  	s8 =	sadd.s32 $0xFFFFE003, lr  }
0x1b: {  	s9 =	sadd.s32 $0xFFFFFEF7, lr;
	s5 =	simm.s32 $0xFFFFFFFF;
	p2 =	slt.u32 s8, $0xFFFFF086  }
0x1c: {  	p1 =	slt.u32 s9, $0xF7A;
	s5 =	simm.s32 @!p2 $0x0  }
0x1d: {  	s5 =	simm.s32 @p1 $0x1;
	p0 =	seq.s32 s7, s2  }
0x1e: {  	s7 =	smul.u32 @!p0 $0xF7A, s2;
	p2 =	seq.s32 @!p0 s5, $0x0  }
0x1f: {  	s9 =	smul.u32 $0xF7A, s1;
	s8 =	simm.s32 @!p0 $0x1BF5;
	p2 =	por !p2, p0  }
0x20: {  	[sflag:s8] =	ssyncset.s32 @!p0 $0xFFFFF086;
	s6 =	sadd.s32 @!p0 s3, s7;
	s7 =	simm.s32 @!p0 $0x108  }
0x21: {  	s3 =	sadd.s32 s3, s9;
	s6 =	sadd.s32 @!p0 $0x88, s6;
	s7 =	simm.s32 @p2 $0x1082  }
0x22: {  	[simem:s7], [sflag:s8] =	dma.local @!p0 [hbm:s6], $0xF7A  }
0x23: {  	s9 =	sor.u32 $0xD0000000, s2;
	s6 =	simm.s32 $0x108;
	_ =	swait.ge @!p0 [sflag:s8], $0x0  }
0x24: {  	s3 =	sadd.s32 $0x88, s3;
	s6 =	simm.s32 @!p1 $0x1082;
	[sflag:s4] =	ssyncset.s32 $0xFFFFF086  }
0x25: {  	[simem:s6], [sflag:s4] =	dma.local [hbm:s3], $0xF7A  }
0x26: {  	[smem:$0x3F9B] =	sst s1;
	(tag) =	ssettag s2;
	_ =	strace s9  }
0x27: {  	s1 =	sld [smem:$0x3FAB]  }
0x28: {  	s2 =	sld [smem:$0x3FAC]  }
0x29: {  	s4 =	sld [smem:$0x3FAE]  }
0x2a: {  	p0 =	seq.s32 s5, $0x0;
	s5 =	sld [smem:$0x3FAF]  }
0x2b: {  	s6 =	sld [smem:$0x3FB0]  }
0x2c: {  	s7 =	sld [smem:$0x3FB1]  }
0x2d: {  	s3 =	simm.s32 $0x108;
	s8 =	sld [smem:$0x3FB2]  }
0x2e: {  	s3 =	simm.s32 @!p0 $0x1082;
	s9 =	sld [smem:$0x3FB3]  }
0x2f: {  	lr =	sadd.s32 s0, s3;
	s0 =	sld [smem:$0x3FAA]  }
0x30: {  	s3 =	sld [smem:$0x3FAD]  }
0x31: {  	[smem:$0x3FB6] =	sst s10  }
0x32: {  	s10 =	sld [smem:$0x3FB4];
	_ =	sdelay $0x3  }
0x33: {  	p0 =	seq.s32 s10, $0x1;
	s10 =	sld [smem:$0x3FB6];
	_ =	sdelay $0x3  }
0x34: {  	[smem:$0x3FB6] =	sst s10  }
0x35: {  	s10 =	sld [smem:$0x3FB5];
	_ =	sdelay $0x3  }
0x36: {  	p1 =	seq.s32 s10, $0x1;
	s10 =	sld [smem:$0x3FB6];
	_ =	sdelay $0x3  }
0x37: {  	[smem:$0x3FB6] =	sst s10  }
0x38: {  	s10 =	sld [smem:$0x3FB7]  }
0x39: {  	_ = 	snop;
	(pc) =	sbr.ind lr, $3  }
0x3a: {  	_ = 	snop  }
0x3b: {  	_ = 	snop  }
0x3c: {  	p2 =	seq.s32 s10, $0x1;
	s10 =	sld [smem:$0x3FB6]  }
0x3d: {  	_ =	shalt  }
0x3e: {  	_ =	shalt  }
0x3f: {  	_ =	shalt  }
0x40: {  	_ =	shalt  }
0x41: {  	_ =	shalt  }
0x42: {  	_ =	shalt  }
0x43: {  	_ =	shalt  }
0x44: {  	_ =	shalt  }
0x45: {  	_ =	shalt  }
0x46: {  	_ =	shalt  }
0x47: {  	_ =	shalt  }
0x48: {  	_ =	shalt  }
0x49: {  	_ =	shalt  }
0x4a: {  	_ =	shalt  }
0x4b: {  	_ =	shalt  }
0x4c: {  	_ =	shalt  }
0x4d: {  	_ =	shalt  }
0x4e: {  	_ =	shalt  }
0x4f: {  	_ =	shalt  }
0x50: {  	_ =	shalt  }
0x51: {  	_ =	shalt  }
0x52: {  	_ =	shalt  }
0x53: {  	_ =	shalt  }
0x54: {  	_ =	shalt  }
0x55: {  	_ =	shalt  }
0x56: {  	_ =	shalt  }
0x57: {  	_ =	shalt  }
0x58: {  	_ =	shalt  }
0x59: {  	_ =	shalt  }
0x5a: {  	_ =	shalt  }
0x5b: {  	_ =	shalt  }
0x5c: {  	_ =	shalt  }
0x5d: {  	_ =	shalt  }
0x5e: {  	_ =	shalt  }
0x5f: {  	_ =	shalt  }
0x60: {  	_ =	shalt  }
0x61: {  	_ =	shalt  }
0x62: {  	_ =	shalt  }
0x63: {  	_ =	shalt  }
0x64: {  	_ =	shalt  }
0x65: {  	_ =	shalt  }
0x66: {  	_ =	shalt  }
0x67: {  	_ =	shalt  }
0x68: {  	_ =	shalt  }
0x69: {  	_ =	shalt  }
0x6a: {  	_ =	shalt  }
0x6b: {  	_ =	shalt  }
0x6c: {  	_ =	shalt  }
0x6d: {  	_ =	shalt  }
0x6e: {  	_ =	shalt  }
0x6f: {  	_ =	shalt  }
0x70: {  	_ =	shalt  }
0x71: {  	_ =	shalt  }
0x72: {  	_ =	shalt  }
0x73: {  	_ =	shalt  }
0x74: {  	_ =	shalt  }
0x75: {  	_ =	shalt  }
0x76: {  	_ =	shalt  }
0x77: {  	_ =	shalt  }
0x78: {  	_ =	shalt  }
0x79: {  	_ =	shalt  }
0x7a: {  	_ =	shalt  }
0x7b: {  	_ =	shalt  }
0x7c: {  	_ =	shalt  }
0x7d: {  	_ =	shalt  }
0x7e: {  	_ =	shalt  }
0x7f: {  	_ =	shalt  }
0x80: {  	_ =	shalt  }
0x81: {  	_ =	shalt  }
0x82: {  	_ =	shalt  }
0x83: {  	_ =	shalt  }
0x84: {  	_ =	shalt  }
0x85: {  	_ =	shalt  }
0x86: {  	_ =	shalt  }
0x87: {  	_ =	shalt  }
.Lfunc_end0:
.L_simem_size_0:
called_computation_lowered:
.L_overlay_start_0:
0x88: {  	s2 =	sld [smem:$0x3FD9]  }
0x89: {  	s3 =	sld [smem:$0x3FFE];
	_ =	sdelay $0x1  }
0x8a: {  	s1 =	srdreg.scid  }
0x8b: {  	s0 =	sand.u32 $0x1, s1  }
0x8c: {  	s17 =	sshll.u32 s0, $0xA;
	s2 =	sadd.s32 s3, s2  }
0x8d: {  	s2 =	sadd.s32 s2, s17  }
0x8e: {  	[smem:$0x3FC2] =	sst s2  }
0x8f: {  	_ = 	snop  }
0x90: {  	s2 =	sld [smem:$0x3FC9]  }
0x91: {  	s18 =	sld [smem:$0x3FC8];
	(tm) =	ssettm $0x1  }
0x92: {  	s4 =	sld [smem:$0x3FFB];
	_ =	sdelay $0x3  }
0x93: {  	_ =	strace s4  }
0x94: {  	s4 =	sld [smem:$0x3FFC];
	_ =	sdelay $0x3  }
0x95: {  	_ =	strace s4  }
0x96: {  	s4 =	sld [smem:$0x3FFD];
	_ =	sdelay $0x3  }
0x97: {  	_ =	strace s4  }
0x98: {  	_ =	strace $0x8FFFFFFF  }
0x99: {  	s19 =	sld [smem:$0x3FDB];
	_ =	sdelay $0x1  }
0x9a: {  	s5 =	simm.s32 $_scs_section_size  }
0x9b: {  	s6 =	simm.s32 $_size__tile_overlayer_lowered;
	s7 =	simm.s32 $_tile_overlayer_lowered  }
0x9c: {  	s22 =	simm.s32 $0x1BFF;
	s21 =	sshll.u32 s7, $0x1;
	s4 =	sadd.s32 s5, s19  }
0x9d: {  	s8 =	simm.s32 $0x0;
	s20 =	sshll.u32 s6, $0x1;
	s6 =	sadd.s32 s21, s4  }
0x9e: {  	[timem:s8], [sflag:s22] =	dma.local [hbm:s6], s20  }
0x9f: {  	_ =	swait.ge [sflag:s22], s20  }
0xa0: {  	s5 =	ssub.s32 $0x0, s20;
	[sflag:s22] =	ssyncset.done $0x0  }
0xa1: {  	[sflag:s22] =	ssyncadd.s32 s5;
	_ =	sdelay $0x1  }
0xa2: {  	s23 =	simm.s32 $0x1B8B  }
0xa3: {  	_ =	swait.ge [sflag:s23], $0x1  }
0xa4: {  	[sflag:s23] =	ssyncset.done $0x0  }
0xa5: {  	s25 =	simm.s32 $0x1B8E;
	s24 =	sld [smem:$0x3FFE];
	[sflag:s23] =	ssyncadd.s32 $0xFFFFFFFF  }
0xa6: {  	s26 =	simm.s32 $execute0_lowered;
	[smem:$0x3FD2] =	sst s25  }
0xa7: {  	s6 =	sshll.u32 s26, $0x1;
	_ =	strace $0x80000046;
	[dreg:$0x1] =	wrdreg $0xFFFFFFFF  }
0xa8: {  	s28 =	simm.s32 $_size_execute0_lowered;
	s4 =	sadd.s32 s4, s6;
	[dreg:$0x0] =	wrdreg $0x0  }
0xa9: {  	s6 =	sshll.u32 s28, $0x1;
	[dreg:$0x2] =	wrdreg s4  }
0xaa: {  	[dreg:$0x3] =	wrdreg s6  }
0xab: {  	[dreg:$0x4] =	wrdreg $0xC0  }
0xac: {  	_ =	task [dreg:s8], $0x5FFFF  }
0xad: {  	[dreg:$0x1] =	wrdreg $0xFFFFFFFF  }
0xae: {  	[dreg:$0x0] =	wrdreg $0x60  }
0xaf: {  	[dreg:$0x2] =	wrdreg s2  }
0xb0: {  	[dreg:$0x3] =	wrdreg s18  }
0xb1: {  	[dreg:$0x4] =	wrdreg s24  }
0xb2: {  	[dreg:$0x5] =	wrdreg $0x1A7000  }
0xb3: {  	[dreg:$0x6] =	wrdreg $0x9  }
0xb4: {  	_ =	task.clear_ibuf [dreg:s8], $0x7FFFF;
	_ =	strace $0x90000046  }
0xb5: {  	s29 =	simm.s32 $0x9;
	_ =	strace $0x80000048  }
0xb6: {  	_ =	swait.ge [sflag:s29], $0x1  }
0xb7: {  	[sflag:s29] =	ssyncadd.s32 $0xFFFFFFFF  }
0xb8: {  	_ =	strace $0x90000048  }
0xb9: {  	_ =	sfence  }
0xba: {  	s30 =	sld [smem:$0x0];
	_ =	sdelay $0x2  }
0xbb: {  	s31 =	sshll.u32 s1, $0xD;
	s1 =	sshrl.u32 s1, $0x2  }
0xbc: {  	s3 =	sand.u32 $0x4000, s31;
	s1 =	sadd.s32 s1, s30  }
0xbd: {  	s0 =	sor.u32 s3, s0;
	s1 =	sshll.u32 s1, $0x11  }
0xbe: {  	s0 =	sor.u32 s1, s0  }
0xbf: {  	s0 =	sadd.s32 $0x8F2B, s0  }
0xc0: {  	[sflag:s0] =	ssyncadd.remote.s32 $0x1  }
0xc1: {  	_ =	sfence.sel $0xFFFF  }
0xc2: {  	[dreg:$0x0] =	wrdreg $0xFFFFFFFF;
	(pc) =	sbr.abs _section_cstart, $3  }
0xc3: {  	[dreg:$0x1] =	wrdreg $0xFFFFFFFF  }
0xc4: {  	_ =	task.clear_ibuf [dreg:s8], $0x2FFFF;
	_ =	strace $0x9FFFFFFF  }
0xc5: {  	(tm) =	ssettm $0x7FFFFFFF  }
tec
execute0_lowered:
.L_overlay_start_1:
0x0: {  	(tag) =	ssettag $0x1  }
0x1: {  	s0 =	rddreg [dreg:$0x0]  }
0x2: {  	s7 =	rddreg [dreg:$0x1]  }
0x3: {  	s1 =	rddreg [dreg:$0x2];
	s18 =	stileid.u32  }
0x4: {  	s3 =	srdreg.scid;
	s2 =	rddreg [dreg:$0x3]  }
0x5: {  	s4 =	simm.s32 $0x0;
	s8 =	sand.u32 $0x1, s3;
	s3 =	sshll.u32 s18, $0x1  }
0x6: {  	[smem:$0x7FF] =	sst s4;
	s6 =	sshll.u32 s18, $0xB;
	s10 =	sshll.u32 s18, $0xA  }
0x7: {  	s17 =	sshll.u32 s18, $0xD;
	s25 =	sshll.u32 s18, $0x5;
	s5 =	sor.u32 s8, s3  }
0x8: {  	_ =	strace $0x80000047;
	s11 =	ssub.s32 $0x2, s8;
	s10 =	sadd.s32 s10, s1  }
0x9: {  	s21 =	sshll.u32 s8, $0xE;
	s23 =	ssub.s32 $0x984, s3;
	s26 =	sshll.u32 s8, $0x4  }
0xa: {  	s9 =	sshll.u32 s5, $0x7;
	s12 =	sshrl.u32 s11, $0x1;
	s19 =	sor.u32 $0x20, s5  }
0xb: {  	s13 =	sshll.u32 s5, $0x4;
	s15 =	sor.u32 $0x40, s5;
	[dreg:$0x5] =	wrdreg s23  }
0xc: {  	s6 =	sor.u32 s6, s9;
	s11 =	ssub.s32 s11, s12;
	s9 =	sand.u32 $0x380, s9  }
0xd: {  	s14 =	sshll.u32 s19, $0x7;
	s16 =	sadd.s32 s7, s13;
	s20 =	sshll.u32 s15, $0x7  }
0xe: {  	s12 =	sshll.u32 s19, $0xB;
	s22 =	sshll.u32 s15, $0xB;
	s19 =	sor.u32 $0xE00, s13  }
0xf: {  	s6 =	sand.u32 $0x6380, s6;
	[dreg:$0x6] =	wrdreg s16;
	s14 =	sand.u32 $0x1C00, s14  }
0x10: {  	s16 =	sand.u32 $0x2C00, s20;
	s12 =	sadd.s32 s0, s12;
	s24 =	sadd.s32 s0, s22  }
0x11: {  	s6 =	sshrl.u32 s6, $0x3;
	s14 =	sor.u32 s9, s14;
	[dreg:$0x9] =	wrdreg s12  }
0x12: {  	s9 =	sor.u32 s9, s16;
	[dreg:$0xb] =	wrdreg s24;
	s12 =	smax.u32 s11, $0x1  }
0x13: {  	s1 =	sadd.s32 s6, s1;
	s6 =	sadd.s32 s17, s2;
	s17 =	sshll.u32 s5, $0xB  }
0x14: {  	s14 =	sshrl.u32 s14, $0x3;
	[dreg:$0xe] =	wrdreg s12;
	s17 =	sadd.s32 s0, s17  }
0x15: {  	s9 =	sshrl.u32 s9, $0x3;
	s14 =	sadd.s32 s7, s14;
	[dreg:$0x7] =	wrdreg s17  }
0x16: {  	s23 =	sor.u32 $0x600, s13;
	s9 =	sadd.s32 s7, s9;
	[dreg:$0x8] =	wrdreg s14  }
0x17: {  	s20 =	sor.u32 $0xC00, s13;
	s1 =	sadd.s32 $0x8E00, s1;
	[dreg:$0xa] =	wrdreg s9  }
0x18: {  	s22 =	sor.u32 $0x800, s13;
	s9 =	sadd.s32 s21, s10;
	[dreg:$0xd] =	wrdreg s1  }
0x19: {  	s1 =	sor.u32 s26, s25;
	s14 =	sor.u32 $0x1000, s13;
	s17 =	sshll.u32 s18, $0xC  }
0x1a: {  	s18 =	sshll.u32 s8, $0xB;
	s8 =	sand.u32 $0xD80, s20;
	s21 =	sor.u32 $0xA00, s13  }
0x1b: {  	s25 =	sand.u32 $0x980, s22;
	s26 =	sand.u32 $0x780, s23;
	s9 =	sadd.s32 $0xE00, s9  }
0x1c: {  	s16 =	sand.u32 $0x70, s1;
	s15 =	sand.u32 $0x1180, s14;
	s0 =	sadd.s32 s17, s0  }
0x1d: {  	s1 =	sand.u32 $0xF80, s19;
	s31 =	sadd.s32 s8, s7;
	s8 =	sand.u32 $0xB80, s21  }
0x1e: {  	s29 =	sadd.s32 s25, s7;
	s28 =	sadd.s32 s26, s7;
	s25 =	simm.s32 $0x13  }
0x1f: {  	[dreg:$0xc] =	wrdreg s9;
	s24 =	sadd.s32 s15, s7;
	s0 =	sadd.s32 s18, s0  }
0x20: {  	v0 =	vimm.f32 $0.0e+00;
	s1 =	sadd.s32 s1, s7;
	s30 =	sadd.s32 s8, s7;
	s0 =	sadd.s32 $0x80000, s0  }
.LBB2_1:
0x21: {  	s7 =	simm.s32 $0x0;
	s8 =	simm.s32 $0x0  }
.LBB2_2:
0x22: {  	p0 =	sne.s32 s8, $0x7FC0  }
.Ltmp0:
0x23: {  	_ = 	snop;
	(pc) =	sbr.rel @p0 .LBB2_2-.Ltmp0, $4  }
0x24: {  	s9 =	sand.u32 $0x7E00, s8  }
0x25: {  	s10 =	sand.u32 $0x70, s7;
	s9 =	sshrl.u32 s9, $0x2  }
0x26: {  	s9 =	sor.u32 s10, s9  }
0x27: {  	s7 =	sadd.s32 $0x10, s7;
	s8 =	sadd.s32 $0x40, s8;
	[tilespmem:s9+$0x18300] =	vst v0  }
0x28: {  	s7 =	simm.s32 $0x40;
	s8 =	simm.s32 $0x0  }
.LBB2_4:
0x29: {  	p0 =	sne.s32 s7, $0xFC0;
	[tilespmem:s8+$0x1A300] =	vst v0;
	s8 =	smov.u32 s7;
	s7 =	sadd.s32 $0x40, s7  }
.Ltmp1:
0x2a: {  	(pc) =	sbr.rel @p0 .LBB2_4-.Ltmp1, $2  }
0x2b: {  	_ =	sdelay $0x2  }
0x2c: {  	s8 =	sshra.s32 s8, $0x2  }
0x2d: {  	[tilespmem:s8+$0x1A300] =	vst v0;
	s7 =	simm.s32 $0x18300  }
0x2e: {  	[spmem:s6] =	stream.linear.scatter [tilespmem:s7], [sflag:$0x13], $0x2000, $0x38;
	[tilespmem:$0x1C700] =	vst v63  }
0x2f: {  	_ =	swait.ge [sflag:s25], $0x2000  }
0x30: {  	[sflag:s25] =	ssyncset.done $0x0  }
0x31: {  	[sflag:s25] =	ssyncadd.s32 $0xFFFFE000  }
0x32: {  	[bflag:$0x0] =	sbarrier.arrive $0xFFFF  }
0x33: {  	s12 =	rddreg [dreg:$0x6]  }
0x34: {  	s26 =	simm.s32 $0x0;
	s13 =	simm.s32 $0x18000;
	s14 =	rddreg [dreg:$0x7]  }
0x35: {  	[tilespmem:s13], [sflag:$0x7] =	stream.linear.gather [hbm4b:s12+s26], $0x80, $0x38;
	[tilespmem:$0x1C700] =	vst v63  }
0x36: {  	s15 =	rddreg [dreg:$0x8]  }
0x37: {  	[tilespmem:s26], [sflag:$0x1] =	stream.linear.gather [hbm4b:s14+s26], $0x4000, $0x38;
	[tilespmem:$0x1C700] =	vst v63  }
0x38: {  	s17 =	simm.s32 $0x18080;
	s18 =	rddreg [dreg:$0x9]  }
0x39: {  	[tilespmem:s17], [sflag:$0x8] =	stream.linear.gather [hbm4b:s15+s26], $0x80, $0x38;
	[tilespmem:$0x1C700] =	vst v63  }
0x3a: {  	s19 =	simm.s32 $0x4000;
	s21 =	simm.s32 $0x18100;
	s20 =	rddreg [dreg:$0xa]  }
0x3b: {  	[tilespmem:s19], [sflag:$0x2] =	stream.linear.gather [hbm4b:s18+s26], $0x4000, $0x38;
	[tilespmem:$0x1C700] =	vst v63  }
0x3c: {  	s23 =	simm.s32 $0x8000;
	s22 =	rddreg [dreg:$0xb];
	s17 =	smov.u32 s24  }
0x3d: {  	[tilespmem:s21], [sflag:$0x9] =	stream.linear.gather [hbm4b:s20+s26], $0x80, $0x38;
	[tilespmem:$0x1C700] =	vst v63  }
0x3e: {  	s19 =	smov.u32 s1;
	s18 =	smov.u32 s0;
	s21 =	smov.u32 s30  }
0x3f: {  	[tilespmem:s23], [sflag:$0x3] =	stream.linear.gather [hbm4b:s22+s26], $0x4000, $0x38;
	[tilespmem:$0x1C700] =	vst v63  }
0x40: {  	s20 =	smov.u32 s31;
	s23 =	smov.u32 s28;
	s22 =	smov.u32 s29  }
.LBB2_6:
0x41: {  	s7 =	sadd.s32 s26, s5  }
0x42: {  	p0 =	sgt.u32 s7, $0x9C3  }
0x43: {  	s8 =	simm.s32 @!p0 $0x7  }
0x44: {  	_ =	swait.ge @!p0 [sflag:s8], $0x80  }
0x45: {  	[sflag:s8] =	ssyncset.done @!p0 $0x0  }
0x46: {  	[sflag:s8] =	ssyncadd.s32 @!p0 $0xFFFFFF80;
	s8 =	simm.s32 @!p0 $0x1  }
0x47: {  	_ =	swait.ge @!p0 [sflag:s8], $0x4000  }
0x48: {  	s9 =	simm.s32 @!p0 $0x18000;
	[sflag:s8] =	ssyncset.done @!p0 $0x0  }
0x49: {  	s10 =	simm.s32 @!p0 $0x0;
	[sflag:s8] =	ssyncadd.s32 @!p0 $0xFFFFC000;
	s8 =	simm.s32 @!p0 $0x80  }
0x4a: {  	[spmem:s2] =	stream.indirect.scatter.add.f32 @!p0 [tilespmem:s10], [sflag:$0xD], $0x80, s9, s8, $0xb8;
	[tilespmem:$0x1C700] =	vst v63  }
0x4b: {  	v1 =	vld @!p0 [tilespmem:$0x18000];
	_ =	sdelay $0x6  }
0x4c: {  	v2 =	vimm.f32 @!p0 $1.000000000e+00;
	s8 =	simm.s32 @!p0 $0x1A300  }
0x4d: {  	[tilespmem:v1+s8+$0x0] =	vst.idx.add.f32.msk @!p0 $0xffff, v2  }
0x4e: {  	v1 =	vld @!p0 [tilespmem:$0x18010];
	_ =	sdelay $0x7  }
0x4f: {  	[tilespmem:v1+s8+$0x0] =	vst.idx.add.f32.msk @!p0 $0xffff, v2  }
0x50: {  	v1 =	vld @!p0 [tilespmem:$0x18020];
	_ =	sdelay $0x7  }
0x51: {  	[tilespmem:v1+s8+$0x0] =	vst.idx.add.f32.msk @!p0 $0xffff, v2  }
0x52: {  	v1 =	vld @!p0 [tilespmem:$0x18030];
	_ =	sdelay $0x7  }
0x53: {  	[tilespmem:v1+s8+$0x0] =	vst.idx.add.f32.msk @!p0 $0xffff, v2  }
0x54: {  	v1 =	vld @!p0 [tilespmem:$0x18040];
	_ =	sdelay $0x7  }
0x55: {  	[tilespmem:v1+s8+$0x0] =	vst.idx.add.f32.msk @!p0 $0xffff, v2  }
0x56: {  	v1 =	vld @!p0 [tilespmem:$0x18050];
	_ =	sdelay $0x7  }
0x57: {  	[tilespmem:v1+s8+$0x0] =	vst.idx.add.f32.msk @!p0 $0xffff, v2  }
0x58: {  	v1 =	vld @!p0 [tilespmem:$0x18060];
	_ =	sdelay $0x7  }
0x59: {  	[tilespmem:v1+s8+$0x0] =	vst.idx.add.f32.msk @!p0 $0xffff, v2  }
0x5a: {  	v1 =	vld @!p0 [tilespmem:$0x18070];
	_ =	sdelay $0x4  }
0x5b: {  	s12 =	sadd.s32 s26, s3  }
0x5c: {  	s10 =	sadd.s32 $0xFFFFFFA0, s12  }
0x5d: {  	p1 =	sgt.u32 s10, $0x9C3  }
0x5e: {  	s11 =	sadd.s32 $0x60, s7;
	[tilespmem:v1+s8+$0x0] =	vst.idx.add.f32.msk @!p0 $0xffff, v2;
	s8 =	simm.s32 @!p1 $0x10  }
0x5f: {  	p3 =	sgt.u32 s11, $0x9C3;
	_ =	swait.ge @!p1 [sflag:s8], $0x4000  }
0x60: {  	s9 =	sadd.s32 @!p3 s23, s16;
	[sflag:s8] =	ssyncset.done @!p1 $0x0  }
0x61: {  	s10 =	simm.s32 @!p3 $0x0;
	[sflag:s8] =	ssyncadd.s32 @!p1 $0xFFFFC000;
	s8 =	simm.s32 @!p3 $0x18180  }
0x62: {  	[tilespmem:s8], [sflag:$0xA] =	stream.linear.gather @!p3 [hbm4b:s9+s10], $0x80, $0x38;
	[tilespmem:$0x1C700] =	vst v63  }
0x63: {  	s11 =	sadd.s32 @!p3 $0xFFFB0000, s18;
	p1 =	sgt.u32 s7, $0x9A3;
	s9 =	simm.s32 @!p3 $0xC000  }
0x64: {  	[tilespmem:s9], [sflag:$0x4] =	stream.linear.gather @!p3 [hbm4b:s11+s10], $0x4000, $0x38;
	[tilespmem:$0x1C700] =	vst v63  }
0x65: {  	s10 =	simm.s32 @!p1 $0x8  }
0x66: {  	_ =	swait.ge @!p1 [sflag:s10], $0x80  }
0x67: {  	[sflag:s10] =	ssyncset.done @!p1 $0x0  }
0x68: {  	[sflag:s10] =	ssyncadd.s32 @!p1 $0xFFFFFF80;
	s10 =	simm.s32 @!p1 $0x2  }
0x69: {  	_ =	swait.ge @!p1 [sflag:s10], $0x4000  }
0x6a: {  	s13 =	simm.s32 @!p1 $0x4000;
	[sflag:s10] =	ssyncset.done @!p1 $0x0  }
0x6b: {  	s11 =	simm.s32 @!p1 $0x18080;
	[sflag:s10] =	ssyncadd.s32 @!p1 $0xFFFFC000;
	s10 =	simm.s32 @!p1 $0x80  }
0x6c: {  	[spmem:s2] =	stream.indirect.scatter.add.f32 @!p1 [tilespmem:s13], [sflag:$0xE], $0x80, s11, s10, $0xb8;
	[tilespmem:$0x1C700] =	vst v63  }
0x6d: {  	v1 =	vld @!p1 [tilespmem:$0x18080];
	_ =	sdelay $0x6  }
0x6e: {  	v2 =	vimm.f32 @!p1 $1.000000000e+00;
	s10 =	simm.s32 @!p1 $0x1A300  }
0x6f: {  	[tilespmem:v1+s10+$0x0] =	vst.idx.add.f32.msk @!p1 $0xffff, v2  }
0x70: {  	v1 =	vld @!p1 [tilespmem:$0x18090];
	_ =	sdelay $0x7  }
0x71: {  	[tilespmem:v1+s10+$0x0] =	vst.idx.add.f32.msk @!p1 $0xffff, v2  }
0x72: {  	v1 =	vld @!p1 [tilespmem:$0x180A0];
	_ =	sdelay $0x7  }
0x73: {  	[tilespmem:v1+s10+$0x0] =	vst.idx.add.f32.msk @!p1 $0xffff, v2  }
0x74: {  	v1 =	vld @!p1 [tilespmem:$0x180B0];
	_ =	sdelay $0x7  }
0x75: {  	[tilespmem:v1+s10+$0x0] =	vst.idx.add.f32.msk @!p1 $0xffff, v2  }
0x76: {  	v1 =	vld @!p1 [tilespmem:$0x180C0];
	_ =	sdelay $0x7  }
0x77: {  	[tilespmem:v1+s10+$0x0] =	vst.idx.add.f32.msk @!p1 $0xffff, v2  }
0x78: {  	v1 =	vld @!p1 [tilespmem:$0x180D0];
	_ =	sdelay $0x7  }
0x79: {  	[tilespmem:v1+s10+$0x0] =	vst.idx.add.f32.msk @!p1 $0xffff, v2  }
0x7a: {  	v1 =	vld @!p1 [tilespmem:$0x180E0];
	_ =	sdelay $0x7  }
0x7b: {  	[tilespmem:v1+s10+$0x0] =	vst.idx.add.f32.msk @!p1 $0xffff, v2  }
0x7c: {  	v1 =	vld @!p1 [tilespmem:$0x180F0];
	_ =	sdelay $0x5  }
0x7d: {  	s13 =	sadd.s32 $0xFFFFFFC0, s12  }
0x7e: {  	p2 =	sgt.u32 s13, $0x9C3  }
0x7f: {  	s14 =	sadd.s32 $0x80, s7;
	[tilespmem:v1+s10+$0x0] =	vst.idx.add.f32.msk @!p1 $0xffff, v2;
	s10 =	simm.s32 @!p2 $0x11  }
0x80: {  	p4 =	sgt.u32 s14, $0x9C3;
	_ =	swait.ge @!p2 [sflag:s10], $0x4000  }
0x81: {  	s11 =	sadd.s32 @!p4 s22, s16;
	s13 =	simm.s32 @!p4 $0x0;
	[sflag:s10] =	ssyncset.done @!p2 $0x0  }
0x82: {  	s14 =	rddreg [dreg:$0x5];
	[sflag:s10] =	ssyncadd.s32 @!p2 $0xFFFFC000;
	s10 =	simm.s32 @!p4 $0x18200  }
0x83: {  	[tilespmem:s10], [sflag:$0xB] =	stream.linear.gather @!p4 [hbm4b:s11+s13], $0x80, $0x38;
	[tilespmem:$0x1C700] =	vst v63  }
0x84: {  	s15 =	sadd.s32 @!p4 $0xFFFC0000, s18;
	p2 =	sge.u32 s26, s14;
	s11 =	simm.s32 @!p4 $0x10000  }
0x85: {  	[tilespmem:s11], [sflag:$0x5] =	stream.linear.gather @!p4 [hbm4b:s15+s13], $0x4000, $0x38;
	[tilespmem:$0x1C700] =	vst v63  }
0x86: {  	s13 =	simm.s32 @!p2 $0x9  }
0x87: {  	_ =	swait.ge @!p2 [sflag:s13], $0x80  }
0x88: {  	[sflag:s13] =	ssyncset.done @!p2 $0x0  }
0x89: {  	[sflag:s13] =	ssyncadd.s32 @!p2 $0xFFFFFF80;
	s13 =	simm.s32 @!p2 $0x3  }
0x8a: {  	_ =	swait.ge @!p2 [sflag:s13], $0x4000  }
0x8b: {  	s14 =	simm.s32 @!p2 $0x18100;
	[sflag:s13] =	ssyncset.done @!p2 $0x0  }
0x8c: {  	s15 =	simm.s32 @!p2 $0x8000;
	[sflag:s13] =	ssyncadd.s32 @!p2 $0xFFFFC000;
	s13 =	simm.s32 @!p2 $0x80  }
0x8d: {  	[spmem:s2] =	stream.indirect.scatter.add.f32 @!p2 [tilespmem:s15], [sflag:$0xF], $0x80, s14, s13, $0xb8;
	[tilespmem:$0x1C700] =	vst v63  }
0x8e: {  	v1 =	vld @!p2 [tilespmem:$0x18100];
	_ =	sdelay $0x6  }
0x8f: {  	v2 =	vimm.f32 @!p2 $1.000000000e+00;
	s13 =	simm.s32 @!p2 $0x1A300  }
0x90: {  	[tilespmem:v1+s13+$0x0] =	vst.idx.add.f32.msk @!p2 $0xffff, v2  }
0x91: {  	v1 =	vld @!p2 [tilespmem:$0x18110];
	_ =	sdelay $0x7  }
0x92: {  	[tilespmem:v1+s13+$0x0] =	vst.idx.add.f32.msk @!p2 $0xffff, v2  }
0x93: {  	v1 =	vld @!p2 [tilespmem:$0x18120];
	_ =	sdelay $0x7  }
0x94: {  	[tilespmem:v1+s13+$0x0] =	vst.idx.add.f32.msk @!p2 $0xffff, v2  }
0x95: {  	v1 =	vld @!p2 [tilespmem:$0x18130];
	_ =	sdelay $0x7  }
0x96: {  	[tilespmem:v1+s13+$0x0] =	vst.idx.add.f32.msk @!p2 $0xffff, v2  }
0x97: {  	v1 =	vld @!p2 [tilespmem:$0x18140];
	_ =	sdelay $0x7  }
0x98: {  	[tilespmem:v1+s13+$0x0] =	vst.idx.add.f32.msk @!p2 $0xffff, v2  }
0x99: {  	v1 =	vld @!p2 [tilespmem:$0x18150];
	_ =	sdelay $0x7  }
0x9a: {  	[tilespmem:v1+s13+$0x0] =	vst.idx.add.f32.msk @!p2 $0xffff, v2  }
0x9b: {  	v1 =	vld @!p2 [tilespmem:$0x18160];
	_ =	sdelay $0x7  }
0x9c: {  	[tilespmem:v1+s13+$0x0] =	vst.idx.add.f32.msk @!p2 $0xffff, v2  }
0x9d: {  	v1 =	vld @!p2 [tilespmem:$0x18170];
	_ =	sdelay $0x5  }
0x9e: {  	s12 =	sadd.s32 $0xFFFFFFE0, s12  }
0x9f: {  	p5 =	sgt.u32 s12, $0x9C3  }
0xa0: {  	s12 =	simm.s32 @!p5 $0x12;
	[tilespmem:v1+s13+$0x0] =	vst.idx.add.f32.msk @!p2 $0xffff, v2  }
0xa1: {  	_ =	swait.ge @!p5 [sflag:s12], $0x4000  }
0xa2: {  	s15 =	sadd.s32 $0xA0, s7;
	[sflag:s12] =	ssyncset.done @!p5 $0x0  }
0xa3: {  	[sflag:s12] =	ssyncadd.s32 @!p5 $0xFFFFC000;
	p5 =	sgt.u32 s15, $0x9C3  }
0xa4: {  	s13 =	sadd.s32 @!p5 s21, s16;
	s14 =	simm.s32 @!p5 $0x0;
	s12 =	simm.s32 @!p5 $0x18280  }
0xa5: {  	[tilespmem:s12], [sflag:$0xC] =	stream.linear.gather @!p5 [hbm4b:s13+s14], $0x80, $0x38;
	[tilespmem:$0x1C700] =	vst v63  }
0xa6: {  	s15 =	sadd.s32 @!p5 $0xFFFD0000, s18;
	s13 =	simm.s32 @!p5 $0x14000  }
0xa7: {  	[tilespmem:s13], [sflag:$0x6] =	stream.linear.gather @!p5 [hbm4b:s15+s14], $0x4000, $0x38;
	[tilespmem:$0x1C700] =	vst v63  }
0xa8: {  	s14 =	simm.s32 @!p3 $0xA  }
0xa9: {  	_ =	swait.ge @!p3 [sflag:s14], $0x80  }
0xaa: {  	[sflag:s14] =	ssyncset.done @!p3 $0x0  }
0xab: {  	[sflag:s14] =	ssyncadd.s32 @!p3 $0xFFFFFF80;
	s14 =	simm.s32 @!p3 $0x4  }
0xac: {  	_ =	swait.ge @!p3 [sflag:s14], $0x4000  }
0xad: {  	[sflag:s14] =	ssyncset.done @!p3 $0x0  }
0xae: {  	[sflag:s14] =	ssyncadd.s32 @!p3 $0xFFFFC000;
	s14 =	simm.s32 @!p3 $0x80  }
0xaf: {  	[spmem:s2] =	stream.indirect.scatter.add.f32 @!p3 [tilespmem:s9], [sflag:$0x10], $0x80, s8, s14, $0xb8;
	[tilespmem:$0x1C700] =	vst v63  }
0xb0: {  	v1 =	vld @!p3 [tilespmem:$0x18180];
	_ =	sdelay $0x6  }
0xb1: {  	v2 =	vimm.f32 @!p3 $1.000000000e+00;
	s8 =	simm.s32 @!p3 $0x1A300  }
0xb2: {  	[tilespmem:v1+s8+$0x0] =	vst.idx.add.f32.msk @!p3 $0xffff, v2  }
0xb3: {  	v1 =	vld @!p3 [tilespmem:$0x18190];
	_ =	sdelay $0x7  }
0xb4: {  	[tilespmem:v1+s8+$0x0] =	vst.idx.add.f32.msk @!p3 $0xffff, v2  }
0xb5: {  	v1 =	vld @!p3 [tilespmem:$0x181A0];
	_ =	sdelay $0x7  }
0xb6: {  	[tilespmem:v1+s8+$0x0] =	vst.idx.add.f32.msk @!p3 $0xffff, v2  }
0xb7: {  	v1 =	vld @!p3 [tilespmem:$0x181B0];
	_ =	sdelay $0x7  }
0xb8: {  	[tilespmem:v1+s8+$0x0] =	vst.idx.add.f32.msk @!p3 $0xffff, v2  }
0xb9: {  	v1 =	vld @!p3 [tilespmem:$0x181C0];
	_ =	sdelay $0x7  }
0xba: {  	[tilespmem:v1+s8+$0x0] =	vst.idx.add.f32.msk @!p3 $0xffff, v2  }
0xbb: {  	v1 =	vld @!p3 [tilespmem:$0x181D0];
	_ =	sdelay $0x7  }
0xbc: {  	[tilespmem:v1+s8+$0x0] =	vst.idx.add.f32.msk @!p3 $0xffff, v2  }
0xbd: {  	v1 =	vld @!p3 [tilespmem:$0x181E0];
	_ =	sdelay $0x7  }
0xbe: {  	[tilespmem:v1+s8+$0x0] =	vst.idx.add.f32.msk @!p3 $0xffff, v2  }
0xbf: {  	v1 =	vld @!p3 [tilespmem:$0x181F0];
	_ =	sdelay $0x7  }
0xc0: {  	[tilespmem:v1+s8+$0x0] =	vst.idx.add.f32.msk @!p3 $0xffff, v2;
	s8 =	simm.s32 @!p0 $0xD  }
0xc1: {  	_ =	swait.ge @!p0 [sflag:s8], $0x4000  }
0xc2: {  	s14 =	sadd.s32 $0xC0, s7;
	[sflag:s8] =	ssyncset.done @!p0 $0x0  }
0xc3: {  	[sflag:s8] =	ssyncadd.s32 @!p0 $0xFFFFC000;
	p0 =	sgt.u32 s14, $0x9C3  }
0xc4: {  	s8 =	sadd.s32 @!p0 s20, s16;
	s9 =	simm.s32 @!p0 $0x0;
	s14 =	simm.s32 @!p0 $0x18000  }
0xc5: {  	[tilespmem:s14], [sflag:$0x7] =	stream.linear.gather @!p0 [hbm4b:s8+s9], $0x80, $0x38;
	[tilespmem:$0x1C700] =	vst v63  }
0xc6: {  	s8 =	sadd.s32 @!p0 $0xFFFE0000, s18  }
0xc7: {  	[tilespmem:s9], [sflag:$0x1] =	stream.linear.gather @!p0 [hbm4b:s8+s9], $0x4000, $0x38;
	[tilespmem:$0x1C700] =	vst v63  }
0xc8: {  	s8 =	simm.s32 @!p4 $0xB  }
0xc9: {  	_ =	swait.ge @!p4 [sflag:s8], $0x80  }
0xca: {  	[sflag:s8] =	ssyncset.done @!p4 $0x0  }
0xcb: {  	[sflag:s8] =	ssyncadd.s32 @!p4 $0xFFFFFF80;
	s8 =	simm.s32 @!p4 $0x5  }
0xcc: {  	_ =	swait.ge @!p4 [sflag:s8], $0x4000  }
0xcd: {  	[sflag:s8] =	ssyncset.done @!p4 $0x0  }
0xce: {  	[sflag:s8] =	ssyncadd.s32 @!p4 $0xFFFFC000;
	s8 =	simm.s32 @!p4 $0x80  }
0xcf: {  	[spmem:s2] =	stream.indirect.scatter.add.f32 @!p4 [tilespmem:s11], [sflag:$0x11], $0x80, s10, s8, $0xb8;
	[tilespmem:$0x1C700] =	vst v63  }
0xd0: {  	v1 =	vld @!p4 [tilespmem:$0x18200];
	_ =	sdelay $0x6  }
0xd1: {  	v2 =	vimm.f32 @!p4 $1.000000000e+00;
	s8 =	simm.s32 @!p4 $0x1A300  }
0xd2: {  	[tilespmem:v1+s8+$0x0] =	vst.idx.add.f32.msk @!p4 $0xffff, v2  }
0xd3: {  	v1 =	vld @!p4 [tilespmem:$0x18210];
	_ =	sdelay $0x7  }
0xd4: {  	[tilespmem:v1+s8+$0x0] =	vst.idx.add.f32.msk @!p4 $0xffff, v2  }
0xd5: {  	v1 =	vld @!p4 [tilespmem:$0x18220];
	_ =	sdelay $0x7  }
0xd6: {  	[tilespmem:v1+s8+$0x0] =	vst.idx.add.f32.msk @!p4 $0xffff, v2  }
0xd7: {  	v1 =	vld @!p4 [tilespmem:$0x18230];
	_ =	sdelay $0x7  }
0xd8: {  	[tilespmem:v1+s8+$0x0] =	vst.idx.add.f32.msk @!p4 $0xffff, v2  }
0xd9: {  	v1 =	vld @!p4 [tilespmem:$0x18240];
	_ =	sdelay $0x7  }
0xda: {  	[tilespmem:v1+s8+$0x0] =	vst.idx.add.f32.msk @!p4 $0xffff, v2  }
0xdb: {  	v1 =	vld @!p4 [tilespmem:$0x18250];
	_ =	sdelay $0x7  }
0xdc: {  	[tilespmem:v1+s8+$0x0] =	vst.idx.add.f32.msk @!p4 $0xffff, v2  }
0xdd: {  	v1 =	vld @!p4 [tilespmem:$0x18260];
	_ =	sdelay $0x7  }
0xde: {  	[tilespmem:v1+s8+$0x0] =	vst.idx.add.f32.msk @!p4 $0xffff, v2  }
0xdf: {  	v1 =	vld @!p4 [tilespmem:$0x18270];
	_ =	sdelay $0x7  }
0xe0: {  	s15 =	sadd.s32 $0xE0, s7;
	[tilespmem:v1+s8+$0x0] =	vst.idx.add.f32.msk @!p4 $0xffff, v2;
	s8 =	simm.s32 @!p1 $0xE  }
0xe1: {  	p0 =	sgt.u32 s15, $0x9C3;
	_ =	swait.ge @!p1 [sflag:s8], $0x4000  }
0xe2: {  	s9 =	simm.s32 @!p0 $0x0;
	[sflag:s8] =	ssyncset.done @!p1 $0x0  }
0xe3: {  	s10 =	simm.s32 @!p0 $0x18080;
	[sflag:s8] =	ssyncadd.s32 @!p1 $0xFFFFC000;
	s8 =	sadd.s32 @!p0 s19, s16  }
0xe4: {  	[tilespmem:s10], [sflag:$0x8] =	stream.linear.gather @!p0 [hbm4b:s8+s9], $0x80, $0x38;
	[tilespmem:$0x1C700] =	vst v63  }
0xe5: {  	s8 =	sadd.s32 @!p0 $0xFFFF0000, s18;
	s10 =	simm.s32 @!p0 $0x4000  }
0xe6: {  	[tilespmem:s10], [sflag:$0x2] =	stream.linear.gather @!p0 [hbm4b:s8+s9], $0x4000, $0x38;
	[tilespmem:$0x1C700] =	vst v63  }
0xe7: {  	s8 =	simm.s32 @!p5 $0xC  }
0xe8: {  	_ =	swait.ge @!p5 [sflag:s8], $0x80  }
0xe9: {  	[sflag:s8] =	ssyncset.done @!p5 $0x0  }
0xea: {  	[sflag:s8] =	ssyncadd.s32 @!p5 $0xFFFFFF80;
	s8 =	simm.s32 @!p5 $0x6  }
0xeb: {  	_ =	swait.ge @!p5 [sflag:s8], $0x4000  }
0xec: {  	[sflag:s8] =	ssyncset.done @!p5 $0x0  }
0xed: {  	[sflag:s8] =	ssyncadd.s32 @!p5 $0xFFFFC000;
	s8 =	simm.s32 @!p5 $0x80  }
0xee: {  	[spmem:s2] =	stream.indirect.scatter.add.f32 @!p5 [tilespmem:s13], [sflag:$0x12], $0x80, s12, s8, $0xb8;
	[tilespmem:$0x1C700] =	vst v63  }
0xef: {  	v1 =	vld @!p5 [tilespmem:$0x18280];
	_ =	sdelay $0x6  }
0xf0: {  	v2 =	vimm.f32 @!p5 $1.000000000e+00;
	s8 =	simm.s32 @!p5 $0x1A300  }
0xf1: {  	[tilespmem:v1+s8+$0x0] =	vst.idx.add.f32.msk @!p5 $0xffff, v2  }
0xf2: {  	v1 =	vld @!p5 [tilespmem:$0x18290];
	_ =	sdelay $0x7  }
0xf3: {  	[tilespmem:v1+s8+$0x0] =	vst.idx.add.f32.msk @!p5 $0xffff, v2  }
0xf4: {  	v1 =	vld @!p5 [tilespmem:$0x182A0];
	_ =	sdelay $0x7  }
0xf5: {  	[tilespmem:v1+s8+$0x0] =	vst.idx.add.f32.msk @!p5 $0xffff, v2  }
0xf6: {  	v1 =	vld @!p5 [tilespmem:$0x182B0];
	_ =	sdelay $0x7  }
0xf7: {  	[tilespmem:v1+s8+$0x0] =	vst.idx.add.f32.msk @!p5 $0xffff, v2  }
0xf8: {  	v1 =	vld @!p5 [tilespmem:$0x182C0];
	_ =	sdelay $0x7  }
0xf9: {  	[tilespmem:v1+s8+$0x0] =	vst.idx.add.f32.msk @!p5 $0xffff, v2  }
0xfa: {  	v1 =	vld @!p5 [tilespmem:$0x182D0];
	_ =	sdelay $0x7  }
0xfb: {  	[tilespmem:v1+s8+$0x0] =	vst.idx.add.f32.msk @!p5 $0xffff, v2  }
0xfc: {  	v1 =	vld @!p5 [tilespmem:$0x182E0];
	_ =	sdelay $0x7  }
0xfd: {  	[tilespmem:v1+s8+$0x0] =	vst.idx.add.f32.msk @!p5 $0xffff, v2  }
0xfe: {  	v1 =	vld @!p5 [tilespmem:$0x182F0];
	_ =	sdelay $0x7  }
0xff: {  	s7 =	sadd.s32 $0x100, s7;
	[tilespmem:v1+s8+$0x0] =	vst.idx.add.f32.msk @!p5 $0xffff, v2;
	s8 =	simm.s32 @!p2 $0xF  }
0x100: {  	p0 =	sgt.u32 s7, $0x9C3;
	_ =	swait.ge @!p2 [sflag:s8], $0x4000  }
0x101: {  	s7 =	sadd.s32 @!p0 s17, s16;
	[sflag:s8] =	ssyncset.done @!p2 $0x0  }
0x102: {  	s9 =	simm.s32 @!p0 $0x18100;
	[sflag:s8] =	ssyncadd.s32 @!p2 $0xFFFFC000;
	s8 =	simm.s32 @!p0 $0x0  }
0x103: {  	[tilespmem:s9], [sflag:$0x9] =	stream.linear.gather @!p0 [hbm4b:s7+s8], $0x80, $0x38;
	[tilespmem:$0x1C700] =	vst v63  }
0x104: {  	s26 =	sadd.s32 $0xC0, s26;
	s7 =	simm.s32 @!p0 $0x8000  }
0x105: {  	[tilespmem:s7], [sflag:$0x3] =	stream.linear.gather @!p0 [hbm4b:s18+s8], $0x4000, $0x38;
	[tilespmem:$0x1C700] =	vst v63  }
0x106: {  	p0 =	sne.s32 s26, $0xA80  }
.Ltmp2:
0x107: {  	_ = 	snop;
	(pc) =	sbr.rel @p0 .LBB2_6-.Ltmp2, $4  }
0x108: {  	_ = 	snop  }
0x109: {  	s23 =	sadd.s32 $0xC00, s23  }
0x10a: {  	s22 =	sadd.s32 $0xC00, s22;
	s21 =	sadd.s32 $0xC00, s21;
	s20 =	sadd.s32 $0xC00, s20  }
0x10b: {  	s19 =	sadd.s32 $0xC00, s19;
	s17 =	sadd.s32 $0xC00, s17;
	s18 =	sadd.s32 $0x60000, s18  }
0x10c: {  	s7 =	stileid.u32  }
0x10d: {  	[bflag:$0x0] =	sbarrier.arrive $0xFFFF;
	s7 =	sshll.u32 s7, $0x6  }
0x10e: {  	s8 =	sshrl.u32 s6, $0x3;
	s9 =	rddreg [dreg:$0xc];
	s7 =	sor.u32 $0x1C13, s7  }
0x10f: {  	[hbm:s9], [sflag:s7] =	dma.local [spmem:s8], $0x400  }
0x110: {  	_ =	swait.ge [sflag:s25], $0x400  }
0x111: {  	s22 =	simm.s32 $0x80;
	s23 =	simm.s32 $0x400;
	[sflag:s25] =	ssyncset.done $0x0  }
0x112: {  	s10 =	simm.s32 $0x1A300;
	s21 =	rddreg [dreg:$0xd];
	[sflag:s25] =	ssyncadd.s32 $0xFFFFFC00  }
0x113: {  	[hbm4b:s21+s22] =	stream.strided.scatter [tilespmem:s10], [sflag:$0x13], $0x400, s23, s22, $0x38;
	[tilespmem:$0x1C700] =	vst v63  }
0x114: {  	_ =	swait.ge [sflag:s25], $0x400  }
0x115: {  	s4 =	sadd.s32 $0x1, s4;
	s26 =	rddreg [dreg:$0xe]  }
0x116: {  	p0 =	sne.s32 s4, s26  }
.Ltmp3:
0x117: {  	_ = 	snop;
	(pc) =	sbr.rel @p0 .LBB2_1-.Ltmp3, $3  }
0x118: {  	_ =	sdelay $0x1  }
0x119: {  	[sflag:s25] =	ssyncset.done $0x0  }
0x11a: {  	[sflag:s25] =	ssyncadd.s32 $0xFFFFFC00  }
0x11b: {  	_ =	sfence.sel $0x180000  }
0x11c: {  	[bflag:$0x0] =	sbarrier.arrive $0xFFFF  }
0x11d: {  	_ =	strace $0x90000047  }
0x11e: {  	s0 =	stileid.u32;
	[bflag:$0x2] =	sbarrier.arrive $0xFFFF  }
0x11f: {  	p0 =	sne.s32 s0, $0x0;
	s0 =	rddreg [dreg:$0x4]  }
0x120: {  	s0 =	sadd.s32 @!p0 $0x100000, s0  }
0x121: {  	[sflag:s0] =	ssyncadd.tile.s32 @!p0 $0x1;
	_ =	shalt  }
.Lfunc_end2:
_tile_overlayer_lowered:
.L_overlay_start_2:
0x122: {  	(tag) =	ssettag $0x2  }
0x123: {  	s0 =	rddreg [dreg:$0x0];
	s2 =	stileid.u32  }
0x124: {  	s1 =	rddreg [dreg:$0x1];
	p0 =	sne.s32 s2, $0x0  }
0x125: {  	s3 =	rddreg [dreg:$0x2];
	[bflag:$0x3] =	sbarrier.arrive $0xFFFF;
	s2 =	simm.s32 @!p0 $0x1C13  }
0x126: {  	[timem:s3], [sflag:s2] =	dma.local @!p0 [hbm:s0], s1  }
0x127: {  	s0 =	simm.s32 @!p0 $0x13  }
0x128: {  	_ =	swait.ge @!p0 [sflag:s0], s1  }
0x129: {  	s1 =	ssub.s32 @!p0 $0x0, s1;
	[sflag:s0] =	ssyncset.done @!p0 $0x0  }
0x12a: {  	[sflag:s0] =	ssyncadd.s32 @!p0 s1  }
0x12b: {  	[bflag:$0x3] =	sbarrier.arrive $0xFFFF  }
0x12c: {  	_ =	shalt  }

</sc_bundles>
